<compile_context>
chip_gen: v7x
topology: tpu7x:2x2x1
jax: 0.10.2.dev20260603
libtpu: 0.0.44.dev20260713+nightly
codegen_flags: <defaults>
</compile_context>

<pallas_src>
import functools

import jax
import jax.numpy as jnp
from jax import lax
from jax.experimental import pallas as pl
from jax.experimental.pallas import tpu as pltpu
from jax.experimental.pallas import tpu_sc as plsc

NUM_ATOMS = 64
SIG_DIM = 128
B_TOKENS = 8192
NC = 2
NS = 16
NW = NC * NS
TOK_PER_W = B_TOKENS // NW
L = 16


def _bspline(t):
    t = jnp.abs(t)
    t2 = t * t
    t3 = t2 * t
    r1 = 2.0 / 3.0 - t2 + 0.5 * t3
    u = 2.0 - t
    u3 = (u * u) * u
    r2 = (1.0 / 6.0) * u3
    return jnp.where(t < 1.0, r1, jnp.maximum(r2, 0.0))


def _router_body(content_hbm, pos_hbm, state_hbm, ap_hbm, comp_hbm,
                 prim_hbm, sec_hbm,
                 content_v, pos_v, state_v, ap_v, comp_v, prim_v, sec_v, sem):
    wid = lax.axis_index("s") * NC + lax.axis_index("c")
    base = wid * TOK_PER_W

    descs = [
        pltpu.async_copy(content_hbm.at[pl.ds(base, TOK_PER_W), :], content_v,
                         sem),
        pltpu.async_copy(pos_hbm.at[pl.ds(base, TOK_PER_W)], pos_v, sem),
        pltpu.async_copy(state_hbm.at[pl.ds(base, TOK_PER_W)], state_v, sem),
        pltpu.async_copy(ap_hbm, ap_v, sem),
        pltpu.async_copy(comp_hbm, comp_v, sem),
    ]
    for d in descs:
        d.wait()

    lanes = lax.iota(jnp.int32, L)
    lane0 = lanes == 0
    even_idx = [lanes * 2 + 2 * L * g for g in range(4)]
    ap_g = [ap_v[pl.ds(L * g, L)] for g in range(4)]
    lane_ids = [lanes + L * g for g in range(4)]

    @plsc.parallel_loop(0, TOK_PER_W, step=1, unroll=8)
    def token_body(i):
        row = jnp.full((L,), i, jnp.int32)
        p_v = plsc.load_gather(pos_v, [row])
        ppos, nz = [], None
        for g in range(4):
            ev = plsc.load_gather(content_v, [row, even_idx[g]])
            ov = plsc.load_gather(content_v, [row, even_idx[g] + 1])
            sg_e = jnp.sign(ev)
            sg_o = jnp.sign(ov)
            pp = jnp.maximum(sg_e, 0.0) + jnp.maximum(sg_o, 0.0)
            ppos.append(pp)
            grp = sg_e * sg_e + sg_o * sg_o
            nz = grp if nz is None else nz + grp
        k_tot = jnp.sum(nz)
        k_v = jnp.full((L,), k_tot, jnp.float32) + 2.0
        best = bidx = None
        for g in range(4):
            content_score = (ppos[g] + ppos[g]) - k_v
            sp = _bspline((p_v - ap_g[g]) * 0.5)
            comb = content_score + sp * 10.0
            if g == 0:
                best, bidx = comb, lane_ids[0]
            else:
                better = comb > best
                best = jnp.maximum(best, comb)
                bidx = jnp.where(better, lane_ids[g], bidx)
        m_v = jnp.full((L,), jnp.max(best), jnp.float32)
        big = jnp.full((L,), NUM_ATOMS, jnp.int32)
        cand = jnp.where(best == m_v, bidx, big)
        prim = jnp.min(cand)
        plsc.store_scatter(prim_v, [row], jnp.full((L,), prim, jnp.int32),
                           mask=lane0)

    for b in range(TOK_PER_W // L):
        p16 = prim_v[pl.ds(L * b, L)]
        s16 = state_v[pl.ds(L * b, L)]
        sec = plsc.load_gather(comp_v, [s16 * NUM_ATOMS + p16])
        sec_v[pl.ds(L * b, L)] = sec.astype(jnp.int32)

    out_descs = [
        pltpu.async_copy(prim_v, prim_hbm.at[pl.ds(base, TOK_PER_W)], sem),
        pltpu.async_copy(sec_v, sec_hbm.at[pl.ds(base, TOK_PER_W)], sem),
    ]
    for d in out_descs:
        d.wait()


@functools.partial(jax.jit, static_argnames=())
def _route(content, position, state, atom_positions, comp_flat):
    mesh = plsc.VectorSubcoreMesh(core_axis_name="c", subcore_axis_name="s",
                                  num_cores=NC, num_subcores=NS)
    fn = pl.kernel(
        _router_body,
        out_type=[jax.ShapeDtypeStruct((B_TOKENS,), jnp.int32),
                  jax.ShapeDtypeStruct((B_TOKENS,), jnp.int32)],
        mesh=mesh,
        compiler_params=pltpu.CompilerParams(needs_layout_passes=False,
                                             skip_device_barrier=True,
                                             use_tc_tiling_on_sc=True),
        scratch_types=[
            pltpu.VMEM((TOK_PER_W, SIG_DIM), jnp.float32),
            pltpu.VMEM((TOK_PER_W,), jnp.float32),
            pltpu.VMEM((TOK_PER_W,), jnp.int32),
            pltpu.VMEM((NUM_ATOMS,), jnp.float32),
            pltpu.VMEM((NC * NUM_ATOMS,), jnp.float32),
            pltpu.VMEM((TOK_PER_W,), jnp.int32),
            pltpu.VMEM((TOK_PER_W,), jnp.int32),
            pltpu.SemaphoreType.DMA,
        ],
    )
    return fn(content, position, state, atom_positions, comp_flat)


def kernel(content, position, state, signatures, atom_positions, composition_table):
    del signatures
    primary, secondary = _route(content, position, state.astype(jnp.int32),
                                atom_positions, composition_table.reshape(-1))
    return primary, secondary

# --- scband reference (transcript-rebuilt; emitter-appended) ---
"""Pipeline reference for scband-spatio-temporal-xorrouter-1468878815291 (READ-ONLY COPY).

The authoritative reference and input builder live on the scoring server;
editing this copy changes nothing except your own understanding.
"""

import jax, jax.numpy as jnp
import numpy as np

NUM_ATOMS = 64
SIGNATURE_DIM = 128
NUM_STATES = 2
MAX_POSITION = 8
POSITION_SPREAD = 2.0
B = 8192


def _init_params():
    sigs = np.zeros((NUM_ATOMS, SIGNATURE_DIM), dtype=np.float32)
    blk = SIGNATURE_DIM // NUM_ATOMS
    for i in range(NUM_ATOMS):
        sigs[i, i * blk:(i + 1) * blk] = 1.0
    atom_positions = np.linspace(0, MAX_POSITION, NUM_ATOMS).astype(np.float32)
    comp = np.full((NUM_STATES, NUM_ATOMS), -1.0, dtype=np.float32)
    comp[1, 0] = 1.0
    return jnp.asarray(sigs), jnp.asarray(atom_positions), jnp.asarray(comp)


def setup_inputs(seed: int = 0) -> dict:
    key = jax.random.key(seed)
    k1, k2, k3 = jax.random.split(key, 3)
    content = jax.random.normal(k1, (B, SIGNATURE_DIM), dtype=jnp.float32)
    position = jax.random.uniform(k2, (B,), dtype=jnp.float32) * MAX_POSITION
    state = jax.random.randint(k3, (B,), 0, NUM_STATES)
    signatures, atom_positions, composition_table = _init_params()
    return {
        'content': content,
        'position': position,
        'state': state,
        'signatures': signatures,
        'atom_positions': atom_positions,
        'composition_table': composition_table,
    }


def cubic_bspline(t):
    t = jnp.abs(t)
    r1 = 2.0 / 3.0 - t ** 2 + 0.5 * t ** 3
    r2 = (1.0 / 6.0) * (2.0 - t) ** 3
    return jnp.where(t < 1.0, r1, jnp.where(t < 2.0, r2, jnp.zeros_like(t)))


def xor_distance_all(content_sign, sigs_sign):
    # ternary {-1,0,+1} -> 2-bit planes: bit0=(t>0), bit1=(t<0); Hamming over both planes
    a_pos = content_sign > 0
    a_neg = content_sign < 0
    b_pos = sigs_sign > 0
    b_neg = sigs_sign < 0
    d_pos = jnp.sum(jnp.logical_xor(a_pos[:, None, :], b_pos[None, :, :]), axis=-1)
    d_neg = jnp.sum(jnp.logical_xor(a_neg[:, None, :], b_neg[None, :, :]), axis=-1)
    return d_pos + d_neg


def reference(content, position, state, signatures, atom_positions, composition_table):
    sigs_sign = jnp.sign(signatures)
    content_sign = jnp.sign(content)
    distances = xor_distance_all(content_sign, sigs_sign).astype(jnp.float32)
    content_scores = -distances
    pos_diff = position[:, None] - atom_positions[None, :]
    spatial_scores = cubic_bspline(pos_diff / POSITION_SPREAD)
    combined_scores = content_scores + spatial_scores * 10.0
    primary_atom = jnp.argmax(combined_scores, axis=-1)
    secondary_atom = composition_table[state, primary_atom].astype(jnp.int32)
    return primary_atom, secondary_atom

if __name__ == "__main__":
    import jax
    _d = setup_inputs()
    print(jax.jit(kernel)(*tuple(_d.values())))

</pallas_src>

<mosaic_0001>
#map = affine_map<(d0, d1) -> (0, 0)>
#map1 = affine_map<(d0, d1) -> (0)>
module attributes {stable_mosaic.version = 14 : i64} {
  func.func @_router_body(%arg0: i32, %arg1: i32, %arg2: memref<8192x128xf32, #tpu.memory_space<hbm>>, %arg3: memref<8192xf32, #tpu.memory_space<hbm>>, %arg4: memref<8192xi32, #tpu.memory_space<hbm>>, %arg5: memref<64xf32, #tpu.memory_space<hbm>>, %arg6: memref<128xf32, #tpu.memory_space<hbm>>, %arg7: memref<8192xi32, #tpu.memory_space<hbm>>, %arg8: memref<8192xi32, #tpu.memory_space<hbm>>, %arg9: memref<256x128xf32, #tpu.memory_space<vmem>>, %arg10: memref<256xf32, #tpu.memory_space<vmem>>, %arg11: memref<256xi32, #tpu.memory_space<vmem>>, %arg12: memref<64xf32, #tpu.memory_space<vmem>>, %arg13: memref<128xf32, #tpu.memory_space<vmem>>, %arg14: memref<256xi32, #tpu.memory_space<vmem>>, %arg15: memref<256xi32, #tpu.memory_space<vmem>>, %arg16: memref<!tpu.dma_semaphore, #tpu.memory_space<semaphore_mem>>) attributes {dimension_semantics = [#tpu.dimension_semantics<core_parallel>, #tpu.dimension_semantics<subcore_parallel>], iteration_bounds = array<i64: 2, 16>, scalar_prefetch = 0 : i64, scratch_operands = 8 : i64, tpu.core_type = #tpu.core_type<sc_vector_subcore>, window_params = [{transform_indices = #map}, {transform_indices = #map1}, {transform_indices = #map1}, {transform_indices = #map1}, {transform_indices = #map1}, {transform_indices = #map1}, {transform_indices = #map1}]} {
    %mul3A = arith.constant 2 : i32
    %mul3A_0 = arith.muli %arg1, %mul3A : i32
    %add3A = arith.addi %mul3A_0, %arg0 : i32
    %mul3A_1 = arith.constant 256 : i32
    %mul3A_2 = arith.muli %add3A, %mul3A_1 : i32
    %dma_start3A = arith.constant 0 : i32
    %dma_start3A_3 = tpu.memref_slice %arg2[%mul3A_2, %dma_start3A] : memref<8192x128xf32, #tpu.memory_space<hbm>> -> memref<256x128xf32, #tpu.memory_space<hbm>>
    %dma_start3A_4 = arith.constant 0 : i32
    %dma_start3A_5 = tpu.memref_slice %arg2[%mul3A_2, %dma_start3A_4] : memref<8192x128xf32, #tpu.memory_space<hbm>> -> memref<256x128xf32, #tpu.memory_space<hbm>>
    tpu.enqueue_dma source(%dma_start3A_5 : memref<256x128xf32, #tpu.memory_space<hbm>>) target(%arg9 : memref<256x128xf32, #tpu.memory_space<vmem>>) target_semaphore(%arg16 : memref<!tpu.dma_semaphore, #tpu.memory_space<semaphore_mem>>)
    %dma_start3A_6 = tpu.memref_slice %arg3[%mul3A_2] : memref<8192xf32, #tpu.memory_space<hbm>> -> memref<256xf32, #tpu.memory_space<hbm>>
    %dma_start3A_7 = tpu.memref_slice %arg3[%mul3A_2] : memref<8192xf32, #tpu.memory_space<hbm>> -> memref<256xf32, #tpu.memory_space<hbm>>
    tpu.enqueue_dma source(%dma_start3A_7 : memref<256xf32, #tpu.memory_space<hbm>>) target(%arg10 : memref<256xf32, #tpu.memory_space<vmem>>) target_semaphore(%arg16 : memref<!tpu.dma_semaphore, #tpu.memory_space<semaphore_mem>>)
    %dma_start3A_8 = tpu.memref_slice %arg4[%mul3A_2] : memref<8192xi32, #tpu.memory_space<hbm>> -> memref<256xi32, #tpu.memory_space<hbm>>
    %dma_start3A_9 = tpu.memref_slice %arg4[%mul3A_2] : memref<8192xi32, #tpu.memory_space<hbm>> -> memref<256xi32, #tpu.memory_space<hbm>>
    tpu.enqueue_dma source(%dma_start3A_9 : memref<256xi32, #tpu.memory_space<hbm>>) target(%arg11 : memref<256xi32, #tpu.memory_space<vmem>>) target_semaphore(%arg16 : memref<!tpu.dma_semaphore, #tpu.memory_space<semaphore_mem>>)
    tpu.enqueue_dma source(%arg5 : memref<64xf32, #tpu.memory_space<hbm>>) target(%arg12 : memref<64xf32, #tpu.memory_space<vmem>>) target_semaphore(%arg16 : memref<!tpu.dma_semaphore, #tpu.memory_space<semaphore_mem>>)
    tpu.enqueue_dma source(%arg6 : memref<128xf32, #tpu.memory_space<hbm>>) target(%arg13 : memref<128xf32, #tpu.memory_space<vmem>>) target_semaphore(%arg16 : memref<!tpu.dma_semaphore, #tpu.memory_space<semaphore_mem>>)
    %dma_wait3A = arith.constant 0 : i32
    %dma_wait3A_10 = tpu.memref_slice %arg2[%mul3A_2, %dma_wait3A] : memref<8192x128xf32, #tpu.memory_space<hbm>> -> memref<256x128xf32, #tpu.memory_space<hbm>>
    %dma_wait3A_11 = arith.constant 0 : i32
    %dma_wait3A_12 = tpu.memref_slice %arg2[%mul3A_2, %dma_wait3A_11] : memref<8192x128xf32, #tpu.memory_space<hbm>> -> memref<256x128xf32, #tpu.memory_space<hbm>>
    tpu.wait_dma2 semaphore(%arg16 : memref<!tpu.dma_semaphore, #tpu.memory_space<semaphore_mem>>) src(%dma_wait3A_12 : memref<256x128xf32, #tpu.memory_space<hbm>>) dst(%arg9 : memref<256x128xf32, #tpu.memory_space<vmem>>)
    %dma_wait3A_13 = tpu.memref_slice %arg3[%mul3A_2] : memref<8192xf32, #tpu.memory_space<hbm>> -> memref<256xf32, #tpu.memory_space<hbm>>
    %dma_wait3A_14 = tpu.memref_slice %arg3[%mul3A_2] : memref<8192xf32, #tpu.memory_space<hbm>> -> memref<256xf32, #tpu.memory_space<hbm>>
    tpu.wait_dma2 semaphore(%arg16 : memref<!tpu.dma_semaphore, #tpu.memory_space<semaphore_mem>>) src(%dma_wait3A_14 : memref<256xf32, #tpu.memory_space<hbm>>) dst(%arg10 : memref<256xf32, #tpu.memory_space<vmem>>)
    %dma_wait3A_15 = tpu.memref_slice %arg4[%mul3A_2] : memref<8192xi32, #tpu.memory_space<hbm>> -> memref<256xi32, #tpu.memory_space<hbm>>
    %dma_wait3A_16 = tpu.memref_slice %arg4[%mul3A_2] : memref<8192xi32, #tpu.memory_space<hbm>> -> memref<256xi32, #tpu.memory_space<hbm>>
    tpu.wait_dma2 semaphore(%arg16 : memref<!tpu.dma_semaphore, #tpu.memory_space<semaphore_mem>>) src(%dma_wait3A_16 : memref<256xi32, #tpu.memory_space<hbm>>) dst(%arg11 : memref<256xi32, #tpu.memory_space<vmem>>)
    tpu.wait_dma2 semaphore(%arg16 : memref<!tpu.dma_semaphore, #tpu.memory_space<semaphore_mem>>) src(%arg5 : memref<64xf32, #tpu.memory_space<hbm>>) dst(%arg12 : memref<64xf32, #tpu.memory_space<vmem>>)
    tpu.wait_dma2 semaphore(%arg16 : memref<!tpu.dma_semaphore, #tpu.memory_space<semaphore_mem>>) src(%arg6 : memref<128xf32, #tpu.memory_space<hbm>>) dst(%arg13 : memref<128xf32, #tpu.memory_space<vmem>>)
    %iota3A = tpu.iota {dimensions = array<i32: 0>} : vector<16xi32>
    %eq3A = arith.constant 0 : i32
    %eq3A_17 = vector.broadcast %eq3A : i32 to vector<16xi32>
    %eq3A_18 = arith.cmpi eq, %iota3A, %eq3A_17 : vector<16xi32>
    %mul3A_19 = arith.constant 2 : i32
    %mul3A_20 = vector.broadcast %mul3A_19 : i32 to vector<16xi32>
    %mul3A_21 = arith.muli %iota3A, %mul3A_20 : vector<16xi32>
    %add3A_22 = arith.constant 0 : i32
    %add3A_23 = vector.broadcast %add3A_22 : i32 to vector<16xi32>
    %add3A_24 = arith.addi %mul3A_21, %add3A_23 : vector<16xi32>
    %mul3A_25 = arith.constant 2 : i32
    %mul3A_26 = vector.broadcast %mul3A_25 : i32 to vector<16xi32>
    %mul3A_27 = arith.muli %iota3A, %mul3A_26 : vector<16xi32>
    %add3A_28 = arith.constant 32 : i32
    %add3A_29 = vector.broadcast %add3A_28 : i32 to vector<16xi32>
    %add3A_30 = arith.addi %mul3A_27, %add3A_29 : vector<16xi32>
    %mul3A_31 = arith.constant 2 : i32
    %mul3A_32 = vector.broadcast %mul3A_31 : i32 to vector<16xi32>
    %mul3A_33 = arith.muli %iota3A, %mul3A_32 : vector<16xi32>
    %add3A_34 = arith.constant 64 : i32
    %add3A_35 = vector.broadcast %add3A_34 : i32 to vector<16xi32>
    %add3A_36 = arith.addi %mul3A_33, %add3A_35 : vector<16xi32>
    %mul3A_37 = arith.constant 2 : i32
    %mul3A_38 = vector.broadcast %mul3A_37 : i32 to vector<16xi32>
    %mul3A_39 = arith.muli %iota3A, %mul3A_38 : vector<16xi32>
    %add3A_40 = arith.constant 96 : i32
    %add3A_41 = vector.broadcast %add3A_40 : i32 to vector<16xi32>
    %add3A_42 = arith.addi %mul3A_39, %add3A_41 : vector<16xi32>
    %get3A = arith.constant 0 : index
    %get3A_43 = tpu.vector_load %arg12[%get3A] {strides = array<i32>} : memref<64xf32, #tpu.memory_space<vmem>>, vector<16xf32>,
    %get3A_44 = arith.constant 16 : index
    %get3A_45 = tpu.vector_load %arg12[%get3A_44] {strides = array<i32>} : memref<64xf32, #tpu.memory_space<vmem>>, vector<16xf32>,
    %get3A_46 = arith.constant 32 : index
    %get3A_47 = tpu.vector_load %arg12[%get3A_46] {strides = array<i32>} : memref<64xf32, #tpu.memory_space<vmem>>, vector<16xf32>,
    %get3A_48 = arith.constant 48 : index
    %get3A_49 = tpu.vector_load %arg12[%get3A_48] {strides = array<i32>} : memref<64xf32, #tpu.memory_space<vmem>>, vector<16xf32>,
    %add3A_50 = arith.constant 0 : i32
    %add3A_51 = vector.broadcast %add3A_50 : i32 to vector<16xi32>
    %add3A_52 = arith.addi %iota3A, %add3A_51 : vector<16xi32>
    %add3A_53 = arith.constant 16 : i32
    %add3A_54 = vector.broadcast %add3A_53 : i32 to vector<16xi32>
    %add3A_55 = arith.addi %iota3A, %add3A_54 : vector<16xi32>
    %add3A_56 = arith.constant 32 : i32
    %add3A_57 = vector.broadcast %add3A_56 : i32 to vector<16xi32>
    %add3A_58 = arith.addi %iota3A, %add3A_57 : vector<16xi32>
    %add3A_59 = arith.constant 48 : i32
    %add3A_60 = vector.broadcast %add3A_59 : i32 to vector<16xi32>
    %add3A_61 = arith.addi %iota3A, %add3A_60 : vector<16xi32>
    %parallel_loop3A = arith.constant 0 : i32
    %parallel_loop3A_62 = arith.constant 256 : i32
    %parallel_loop3A_63 = arith.constant 1 : i32
    scf.for %parallel_loop3A_261 = %parallel_loop3A to %parallel_loop3A_62 step %parallel_loop3A_63  : i32 {
      %parallel_loop3A_262 = vector.broadcast %parallel_loop3A_261 : i32 to vector<16xi32>
      %parallel_loop3A_263 = tpu.vector_load_idx %arg10[%parallel_loop3A_262] : memref<256xf32, #tpu.memory_space<vmem>>[vector<16xi32>], vector<16xf32>,
      %parallel_loop3A_264 = tpu.vector_load_idx %arg9[%parallel_loop3A_262, %add3A_24] : memref<256x128xf32, #tpu.memory_space<vmem>>[vector<16xi32>, vector<16xi32>], vector<16xf32>,
      %parallel_loop3A_265 = arith.constant 1 : i32
      %parallel_loop3A_266 = vector.broadcast %parallel_loop3A_265 : i32 to vector<16xi32>
      %parallel_loop3A_267 = arith.addi %add3A_24, %parallel_loop3A_266 : vector<16xi32>
      %parallel_loop3A_268 = tpu.vector_load_idx %arg9[%parallel_loop3A_262, %parallel_loop3A_267] : memref<256x128xf32, #tpu.memory_space<vmem>>[vector<16xi32>, vector<16xi32>], vector<16xf32>,
      %parallel_loop3A_269 = tpu.bitcast %parallel_loop3A_264 : vector<16xf32> -> vector<16xi32>
      %parallel_loop3A_270 = arith.constant -2147483648 : i32
      %parallel_loop3A_271 = vector.broadcast %parallel_loop3A_270 : i32 to vector<16xi32>
      %parallel_loop3A_272 = arith.andi %parallel_loop3A_269, %parallel_loop3A_271 : vector<16xi32>
      %parallel_loop3A_273 = arith.constant 1065353216 : i32
      %parallel_loop3A_274 = vector.broadcast %parallel_loop3A_273 : i32 to vector<16xi32>
      %parallel_loop3A_275 = arith.ori %parallel_loop3A_274, %parallel_loop3A_272 : vector<16xi32>
      %parallel_loop3A_276 = tpu.bitcast %parallel_loop3A_275 : vector<16xi32> -> vector<16xf32>
      %parallel_loop3A_277 = math.absf %parallel_loop3A_264 : vector<16xf32>
      %parallel_loop3A_278 = arith.constant 0.000000e+00 : f32
      %parallel_loop3A_279 = vector.broadcast %parallel_loop3A_278 : f32 to vector<16xf32>
      %parallel_loop3A_280 = arith.cmpf ogt, %parallel_loop3A_277, %parallel_loop3A_279 : vector<16xf32>
      %parallel_loop3A_281 = arith.select %parallel_loop3A_280, %parallel_loop3A_276, %parallel_loop3A_264 : vector<16xi1>, vector<16xf32>
      %parallel_loop3A_282 = tpu.bitcast %parallel_loop3A_268 : vector<16xf32> -> vector<16xi32>
      %parallel_loop3A_283 = arith.constant -2147483648 : i32
      %parallel_loop3A_284 = vector.broadcast %parallel_loop3A_283 : i32 to vector<16xi32>
      %parallel_loop3A_285 = arith.andi %parallel_loop3A_282, %parallel_loop3A_284 : vector<16xi32>
      %parallel_loop3A_286 = arith.constant 1065353216 : i32
      %parallel_loop3A_287 = vector.broadcast %parallel_loop3A_286 : i32 to vector<16xi32>
      %parallel_loop3A_288 = arith.ori %parallel_loop3A_287, %parallel_loop3A_285 : vector<16xi32>
      %parallel_loop3A_289 = tpu.bitcast %parallel_loop3A_288 : vector<16xi32> -> vector<16xf32>
      %parallel_loop3A_290 = math.absf %parallel_loop3A_268 : vector<16xf32>
      %parallel_loop3A_291 = arith.constant 0.000000e+00 : f32
      %parallel_loop3A_292 = vector.broadcast %parallel_loop3A_291 : f32 to vector<16xf32>
      %parallel_loop3A_293 = arith.cmpf ogt, %parallel_loop3A_290, %parallel_loop3A_292 : vector<16xf32>
      %parallel_loop3A_294 = arith.select %parallel_loop3A_293, %parallel_loop3A_289, %parallel_loop3A_268 : vector<16xi1>, vector<16xf32>
      %parallel_loop3A_295 = arith.constant 0.000000e+00 : f32
      %parallel_loop3A_296 = vector.broadcast %parallel_loop3A_295 : f32 to vector<16xf32>
      %parallel_loop3A_297 = arith.maximumf %parallel_loop3A_281, %parallel_loop3A_296 : vector<16xf32>
      %parallel_loop3A_298 = arith.constant 0.000000e+00 : f32
      %parallel_loop3A_299 = vector.broadcast %parallel_loop3A_298 : f32 to vector<16xf32>
      %parallel_loop3A_300 = arith.maximumf %parallel_loop3A_294, %parallel_loop3A_299 : vector<16xf32>
      %parallel_loop3A_301 = arith.addf %parallel_loop3A_297, %parallel_loop3A_300 : vector<16xf32>
      %parallel_loop3A_302 = arith.mulf %parallel_loop3A_281, %parallel_loop3A_281 : vector<16xf32>
      %parallel_loop3A_303 = arith.mulf %parallel_loop3A_294, %parallel_loop3A_294 : vector<16xf32>
      %parallel_loop3A_304 = arith.addf %parallel_loop3A_302, %parallel_loop3A_303 : vector<16xf32>
      %parallel_loop3A_305 = tpu.vector_load_idx %arg9[%parallel_loop3A_262, %add3A_30] : memref<256x128xf32, #tpu.memory_space<vmem>>[vector<16xi32>, vector<16xi32>], vector<16xf32>,
      %parallel_loop3A_306 = arith.constant 1 : i32
      %parallel_loop3A_307 = vector.broadcast %parallel_loop3A_306 : i32 to vector<16xi32>
      %parallel_loop3A_308 = arith.addi %add3A_30, %parallel_loop3A_307 : vector<16xi32>
      %parallel_loop3A_309 = tpu.vector_load_idx %arg9[%parallel_loop3A_262, %parallel_loop3A_308] : memref<256x128xf32, #tpu.memory_space<vmem>>[vector<16xi32>, vector<16xi32>], vector<16xf32>,
      %parallel_loop3A_310 = tpu.bitcast %parallel_loop3A_305 : vector<16xf32> -> vector<16xi32>
      %parallel_loop3A_311 = arith.constant -2147483648 : i32
      %parallel_loop3A_312 = vector.broadcast %parallel_loop3A_311 : i32 to vector<16xi32>
      %parallel_loop3A_313 = arith.andi %parallel_loop3A_310, %parallel_loop3A_312 : vector<16xi32>
      %parallel_loop3A_314 = arith.constant 1065353216 : i32
      %parallel_loop3A_315 = vector.broadcast %parallel_loop3A_314 : i32 to vector<16xi32>
      %parallel_loop3A_316 = arith.ori %parallel_loop3A_315, %parallel_loop3A_313 : vector<16xi32>
      %parallel_loop3A_317 = tpu.bitcast %parallel_loop3A_316 : vector<16xi32> -> vector<16xf32>
      %parallel_loop3A_318 = math.absf %parallel_loop3A_305 : vector<16xf32>
      %parallel_loop3A_319 = arith.constant 0.000000e+00 : f32
      %parallel_loop3A_320 = vector.broadcast %parallel_loop3A_319 : f32 to vector<16xf32>
      %parallel_loop3A_321 = arith.cmpf ogt, %parallel_loop3A_318, %parallel_loop3A_320 : vector<16xf32>
      %parallel_loop3A_322 = arith.select %parallel_loop3A_321, %parallel_loop3A_317, %parallel_loop3A_305 : vector<16xi1>, vector<16xf32>
      %parallel_loop3A_323 = tpu.bitcast %parallel_loop3A_309 : vector<16xf32> -> vector<16xi32>
      %parallel_loop3A_324 = arith.constant -2147483648 : i32
      %parallel_loop3A_325 = vector.broadcast %parallel_loop3A_324 : i32 to vector<16xi32>
      %parallel_loop3A_326 = arith.andi %parallel_loop3A_323, %parallel_loop3A_325 : vector<16xi32>
      %parallel_loop3A_327 = arith.constant 1065353216 : i32
      %parallel_loop3A_328 = vector.broadcast %parallel_loop3A_327 : i32 to vector<16xi32>
      %parallel_loop3A_329 = arith.ori %parallel_loop3A_328, %parallel_loop3A_326 : vector<16xi32>
      %parallel_loop3A_330 = tpu.bitcast %parallel_loop3A_329 : vector<16xi32> -> vector<16xf32>
      %parallel_loop3A_331 = math.absf %parallel_loop3A_309 : vector<16xf32>
      %parallel_loop3A_332 = arith.constant 0.000000e+00 : f32
      %parallel_loop3A_333 = vector.broadcast %parallel_loop3A_332 : f32 to vector<16xf32>
      %parallel_loop3A_334 = arith.cmpf ogt, %parallel_loop3A_331, %parallel_loop3A_333 : vector<16xf32>
      %parallel_loop3A_335 = arith.select %parallel_loop3A_334, %parallel_loop3A_330, %parallel_loop3A_309 : vector<16xi1>, vector<16xf32>
      %parallel_loop3A_336 = arith.constant 0.000000e+00 : f32
      %parallel_loop3A_337 = vector.broadcast %parallel_loop3A_336 : f32 to vector<16xf32>
      %parallel_loop3A_338 = arith.maximumf %parallel_loop3A_322, %parallel_loop3A_337 : vector<16xf32>
      %parallel_loop3A_339 = arith.constant 0.000000e+00 : f32
      %parallel_loop3A_340 = vector.broadcast %parallel_loop3A_339 : f32 to vector<16xf32>
      %parallel_loop3A_341 = arith.maximumf %parallel_loop3A_335, %parallel_loop3A_340 : vector<16xf32>
      %parallel_loop3A_342 = arith.addf %parallel_loop3A_338, %parallel_loop3A_341 : vector<16xf32>
      %parallel_loop3A_343 = arith.mulf %parallel_loop3A_322, %parallel_loop3A_322 : vector<16xf32>
      %parallel_loop3A_344 = arith.mulf %parallel_loop3A_335, %parallel_loop3A_335 : vector<16xf32>
      %parallel_loop3A_345 = arith.addf %parallel_loop3A_343, %parallel_loop3A_344 : vector<16xf32>
      %parallel_loop3A_346 = arith.addf %parallel_loop3A_304, %parallel_loop3A_345 : vector<16xf32>
      %parallel_loop3A_347 = tpu.vector_load_idx %arg9[%parallel_loop3A_262, %add3A_36] : memref<256x128xf32, #tpu.memory_space<vmem>>[vector<16xi32>, vector<16xi32>], vector<16xf32>,
      %parallel_loop3A_348 = arith.constant 1 : i32
      %parallel_loop3A_349 = vector.broadcast %parallel_loop3A_348 : i32 to vector<16xi32>
      %parallel_loop3A_350 = arith.addi %add3A_36, %parallel_loop3A_349 : vector<16xi32>
      %parallel_loop3A_351 = tpu.vector_load_idx %arg9[%parallel_loop3A_262, %parallel_loop3A_350] : memref<256x128xf32, #tpu.memory_space<vmem>>[vector<16xi32>, vector<16xi32>], vector<16xf32>,
      %parallel_loop3A_352 = tpu.bitcast %parallel_loop3A_347 : vector<16xf32> -> vector<16xi32>
      %parallel_loop3A_353 = arith.constant -2147483648 : i32
      %parallel_loop3A_354 = vector.broadcast %parallel_loop3A_353 : i32 to vector<16xi32>
      %parallel_loop3A_355 = arith.andi %parallel_loop3A_352, %parallel_loop3A_354 : vector<16xi32>
      %parallel_loop3A_356 = arith.constant 1065353216 : i32
      %parallel_loop3A_357 = vector.broadcast %parallel_loop3A_356 : i32 to vector<16xi32>
      %parallel_loop3A_358 = arith.ori %parallel_loop3A_357, %parallel_loop3A_355 : vector<16xi32>
      %parallel_loop3A_359 = tpu.bitcast %parallel_loop3A_358 : vector<16xi32> -> vector<16xf32>
      %parallel_loop3A_360 = math.absf %parallel_loop3A_347 : vector<16xf32>
      %parallel_loop3A_361 = arith.constant 0.000000e+00 : f32
      %parallel_loop3A_362 = vector.broadcast %parallel_loop3A_361 : f32 to vector<16xf32>
      %parallel_loop3A_363 = arith.cmpf ogt, %parallel_loop3A_360, %parallel_loop3A_362 : vector<16xf32>
      %parallel_loop3A_364 = arith.select %parallel_loop3A_363, %parallel_loop3A_359, %parallel_loop3A_347 : vector<16xi1>, vector<16xf32>
      %parallel_loop3A_365 = tpu.bitcast %parallel_loop3A_351 : vector<16xf32> -> vector<16xi32>
      %parallel_loop3A_366 = arith.constant -2147483648 : i32
      %parallel_loop3A_367 = vector.broadcast %parallel_loop3A_366 : i32 to vector<16xi32>
      %parallel_loop3A_368 = arith.andi %parallel_loop3A_365, %parallel_loop3A_367 : vector<16xi32>
      %parallel_loop3A_369 = arith.constant 1065353216 : i32
      %parallel_loop3A_370 = vector.broadcast %parallel_loop3A_369 : i32 to vector<16xi32>
      %parallel_loop3A_371 = arith.ori %parallel_loop3A_370, %parallel_loop3A_368 : vector<16xi32>
      %parallel_loop3A_372 = tpu.bitcast %parallel_loop3A_371 : vector<16xi32> -> vector<16xf32>
      %parallel_loop3A_373 = math.absf %parallel_loop3A_351 : vector<16xf32>
      %parallel_loop3A_374 = arith.constant 0.000000e+00 : f32
      %parallel_loop3A_375 = vector.broadcast %parallel_loop3A_374 : f32 to vector<16xf32>
      %parallel_loop3A_376 = arith.cmpf ogt, %parallel_loop3A_373, %parallel_loop3A_375 : vector<16xf32>
      %parallel_loop3A_377 = arith.select %parallel_loop3A_376, %parallel_loop3A_372, %parallel_loop3A_351 : vector<16xi1>, vector<16xf32>
      %parallel_loop3A_378 = arith.constant 0.000000e+00 : f32
      %parallel_loop3A_379 = vector.broadcast %parallel_loop3A_378 : f32 to vector<16xf32>
      %parallel_loop3A_380 = arith.maximumf %parallel_loop3A_364, %parallel_loop3A_379 : vector<16xf32>
      %parallel_loop3A_381 = arith.constant 0.000000e+00 : f32
      %parallel_loop3A_382 = vector.broadcast %parallel_loop3A_381 : f32 to vector<16xf32>
      %parallel_loop3A_383 = arith.maximumf %parallel_loop3A_377, %parallel_loop3A_382 : vector<16xf32>
      %parallel_loop3A_384 = arith.addf %parallel_loop3A_380, %parallel_loop3A_383 : vector<16xf32>
      %parallel_loop3A_385 = arith.mulf %parallel_loop3A_364, %parallel_loop3A_364 : vector<16xf32>
      %parallel_loop3A_386 = arith.mulf %parallel_loop3A_377, %parallel_loop3A_377 : vector<16xf32>
      %parallel_loop3A_387 = arith.addf %parallel_loop3A_385, %parallel_loop3A_386 : vector<16xf32>
      %parallel_loop3A_388 = arith.addf %parallel_loop3A_346, %parallel_loop3A_387 : vector<16xf32>
      %parallel_loop3A_389 = tpu.vector_load_idx %arg9[%parallel_loop3A_262, %add3A_42] : memref<256x128xf32, #tpu.memory_space<vmem>>[vector<16xi32>, vector<16xi32>], vector<16xf32>,
      %parallel_loop3A_390 = arith.constant 1 : i32
      %parallel_loop3A_391 = vector.broadcast %parallel_loop3A_390 : i32 to vector<16xi32>
      %parallel_loop3A_392 = arith.addi %add3A_42, %parallel_loop3A_391 : vector<16xi32>
      %parallel_loop3A_393 = tpu.vector_load_idx %arg9[%parallel_loop3A_262, %parallel_loop3A_392] : memref<256x128xf32, #tpu.memory_space<vmem>>[vector<16xi32>, vector<16xi32>], vector<16xf32>,
      %parallel_loop3A_394 = tpu.bitcast %parallel_loop3A_389 : vector<16xf32> -> vector<16xi32>
      %parallel_loop3A_395 = arith.constant -2147483648 : i32
      %parallel_loop3A_396 = vector.broadcast %parallel_loop3A_395 : i32 to vector<16xi32>
      %parallel_loop3A_397 = arith.andi %parallel_loop3A_394, %parallel_loop3A_396 : vector<16xi32>
      %parallel_loop3A_398 = arith.constant 1065353216 : i32
      %parallel_loop3A_399 = vector.broadcast %parallel_loop3A_398 : i32 to vector<16xi32>
      %parallel_loop3A_400 = arith.ori %parallel_loop3A_399, %parallel_loop3A_397 : vector<16xi32>
      %parallel_loop3A_401 = tpu.bitcast %parallel_loop3A_400 : vector<16xi32> -> vector<16xf32>
      %parallel_loop3A_402 = math.absf %parallel_loop3A_389 : vector<16xf32>
      %parallel_loop3A_403 = arith.constant 0.000000e+00 : f32
      %parallel_loop3A_404 = vector.broadcast %parallel_loop3A_403 : f32 to vector<16xf32>
      %parallel_loop3A_405 = arith.cmpf ogt, %parallel_loop3A_402, %parallel_loop3A_404 : vector<16xf32>
      %parallel_loop3A_406 = arith.select %parallel_loop3A_405, %parallel_loop3A_401, %parallel_loop3A_389 : vector<16xi1>, vector<16xf32>
      %parallel_loop3A_407 = tpu.bitcast %parallel_loop3A_393 : vector<16xf32> -> vector<16xi32>
      %parallel_loop3A_408 = arith.constant -2147483648 : i32
      %parallel_loop3A_409 = vector.broadcast %parallel_loop3A_408 : i32 to vector<16xi32>
      %parallel_loop3A_410 = arith.andi %parallel_loop3A_407, %parallel_loop3A_409 : vector<16xi32>
      %parallel_loop3A_411 = arith.constant 1065353216 : i32
      %parallel_loop3A_412 = vector.broadcast %parallel_loop3A_411 : i32 to vector<16xi32>
      %parallel_loop3A_413 = arith.ori %parallel_loop3A_412, %parallel_loop3A_410 : vector<16xi32>
      %parallel_loop3A_414 = tpu.bitcast %parallel_loop3A_413 : vector<16xi32> -> vector<16xf32>
      %parallel_loop3A_415 = math.absf %parallel_loop3A_393 : vector<16xf32>
      %parallel_loop3A_416 = arith.constant 0.000000e+00 : f32
      %parallel_loop3A_417 = vector.broadcast %parallel_loop3A_416 : f32 to vector<16xf32>
      %parallel_loop3A_418 = arith.cmpf ogt, %parallel_loop3A_415, %parallel_loop3A_417 : vector<16xf32>
      %parallel_loop3A_419 = arith.select %parallel_loop3A_418, %parallel_loop3A_414, %parallel_loop3A_393 : vector<16xi1>, vector<16xf32>
      %parallel_loop3A_420 = arith.constant 0.000000e+00 : f32
      %parallel_loop3A_421 = vector.broadcast %parallel_loop3A_420 : f32 to vector<16xf32>
      %parallel_loop3A_422 = arith.maximumf %parallel_loop3A_406, %parallel_loop3A_421 : vector<16xf32>
      %parallel_loop3A_423 = arith.constant 0.000000e+00 : f32
      %parallel_loop3A_424 = vector.broadcast %parallel_loop3A_423 : f32 to vector<16xf32>
      %parallel_loop3A_425 = arith.maximumf %parallel_loop3A_419, %parallel_loop3A_424 : vector<16xf32>
      %parallel_loop3A_426 = arith.addf %parallel_loop3A_422, %parallel_loop3A_425 : vector<16xf32>
      %parallel_loop3A_427 = arith.mulf %parallel_loop3A_406, %parallel_loop3A_406 : vector<16xf32>
      %parallel_loop3A_428 = arith.mulf %parallel_loop3A_419, %parallel_loop3A_419 : vector<16xf32>
      %parallel_loop3A_429 = arith.addf %parallel_loop3A_427, %parallel_loop3A_428 : vector<16xf32>
      %parallel_loop3A_430 = arith.addf %parallel_loop3A_388, %parallel_loop3A_429 : vector<16xf32>
      %parallel_loop3A_431 = arith.constant true
      %parallel_loop3A_432 = vector.broadcast %parallel_loop3A_431 : i1 to vector<16xi1>
      %parallel_loop3A_433 = tpu.scan <sum>, %parallel_loop3A_430 masked %parallel_loop3A_432 : vector<16xf32>, vector<16xi1> -> vector<16xf32>
      %parallel_loop3A_434 = vector.extract %parallel_loop3A_433[15] : f32 from vector<16xf32>
      %parallel_loop3A_435 = vector.broadcast %parallel_loop3A_434 : f32 to vector<16xf32>
      %parallel_loop3A_436 = arith.constant 2.000000e+00 : f32
      %parallel_loop3A_437 = vector.broadcast %parallel_loop3A_436 : f32 to vector<16xf32>
      %parallel_loop3A_438 = arith.addf %parallel_loop3A_435, %parallel_loop3A_437 : vector<16xf32>
      %parallel_loop3A_439 = arith.addf %parallel_loop3A_301, %parallel_loop3A_301 : vector<16xf32>
      %parallel_loop3A_440 = arith.subf %parallel_loop3A_439, %parallel_loop3A_438 : vector<16xf32>
      %parallel_loop3A_441 = arith.subf %parallel_loop3A_263, %get3A_43 : vector<16xf32>
      %parallel_loop3A_442 = arith.constant 5.000000e-01 : f32
      %parallel_loop3A_443 = vector.broadcast %parallel_loop3A_442 : f32 to vector<16xf32>
      %parallel_loop3A_444 = arith.mulf %parallel_loop3A_441, %parallel_loop3A_443 : vector<16xf32>
      %parallel_loop3A_445 = math.absf %parallel_loop3A_444 : vector<16xf32>
      %parallel_loop3A_446 = arith.mulf %parallel_loop3A_445, %parallel_loop3A_445 : vector<16xf32>
      %parallel_loop3A_447 = arith.mulf %parallel_loop3A_446, %parallel_loop3A_445 : vector<16xf32>
      %parallel_loop3A_448 = arith.constant 0.666666686 : f32
      %parallel_loop3A_449 = vector.broadcast %parallel_loop3A_448 : f32 to vector<16xf32>
      %parallel_loop3A_450 = arith.subf %parallel_loop3A_449, %parallel_loop3A_446 : vector<16xf32>
      %parallel_loop3A_451 = arith.constant 5.000000e-01 : f32
      %parallel_loop3A_452 = vector.broadcast %parallel_loop3A_451 : f32 to vector<16xf32>
      %parallel_loop3A_453 = arith.mulf %parallel_loop3A_452, %parallel_loop3A_447 : vector<16xf32>
      %parallel_loop3A_454 = arith.addf %parallel_loop3A_450, %parallel_loop3A_453 : vector<16xf32>
      %parallel_loop3A_455 = arith.constant 2.000000e+00 : f32
      %parallel_loop3A_456 = vector.broadcast %parallel_loop3A_455 : f32 to vector<16xf32>
      %parallel_loop3A_457 = arith.subf %parallel_loop3A_456, %parallel_loop3A_445 : vector<16xf32>
      %parallel_loop3A_458 = arith.mulf %parallel_loop3A_457, %parallel_loop3A_457 : vector<16xf32>
      %parallel_loop3A_459 = arith.mulf %parallel_loop3A_458, %parallel_loop3A_457 : vector<16xf32>
      %parallel_loop3A_460 = arith.constant 0.166666672 : f32
      %parallel_loop3A_461 = vector.broadcast %parallel_loop3A_460 : f32 to vector<16xf32>
      %parallel_loop3A_462 = arith.mulf %parallel_loop3A_461, %parallel_loop3A_459 : vector<16xf32>
      %parallel_loop3A_463 = arith.constant 1.000000e+00 : f32
      %parallel_loop3A_464 = vector.broadcast %parallel_loop3A_463 : f32 to vector<16xf32>
      %parallel_loop3A_465 = arith.cmpf olt, %parallel_loop3A_445, %parallel_loop3A_464 : vector<16xf32>
      %parallel_loop3A_466 = arith.constant 0.000000e+00 : f32
      %parallel_loop3A_467 = vector.broadcast %parallel_loop3A_466 : f32 to vector<16xf32>
      %parallel_loop3A_468 = arith.maximumf %parallel_loop3A_462, %parallel_loop3A_467 : vector<16xf32>
      %parallel_loop3A_469 = arith.select %parallel_loop3A_465, %parallel_loop3A_454, %parallel_loop3A_468 : vector<16xi1>, vector<16xf32>
      %parallel_loop3A_470 = arith.constant 1.000000e+01 : f32
      %parallel_loop3A_471 = vector.broadcast %parallel_loop3A_470 : f32 to vector<16xf32>
      %parallel_loop3A_472 = arith.mulf %parallel_loop3A_469, %parallel_loop3A_471 : vector<16xf32>
      %parallel_loop3A_473 = arith.addf %parallel_loop3A_440, %parallel_loop3A_472 : vector<16xf32>
      %parallel_loop3A_474 = arith.addf %parallel_loop3A_342, %parallel_loop3A_342 : vector<16xf32>
      %parallel_loop3A_475 = arith.subf %parallel_loop3A_474, %parallel_loop3A_438 : vector<16xf32>
      %parallel_loop3A_476 = arith.subf %parallel_loop3A_263, %get3A_45 : vector<16xf32>
      %parallel_loop3A_477 = arith.constant 5.000000e-01 : f32
      %parallel_loop3A_478 = vector.broadcast %parallel_loop3A_477 : f32 to vector<16xf32>
      %parallel_loop3A_479 = arith.mulf %parallel_loop3A_476, %parallel_loop3A_478 : vector<16xf32>
      %parallel_loop3A_480 = math.absf %parallel_loop3A_479 : vector<16xf32>
      %parallel_loop3A_481 = arith.mulf %parallel_loop3A_480, %parallel_loop3A_480 : vector<16xf32>
      %parallel_loop3A_482 = arith.mulf %parallel_loop3A_481, %parallel_loop3A_480 : vector<16xf32>
      %parallel_loop3A_483 = arith.constant 0.666666686 : f32
      %parallel_loop3A_484 = vector.broadcast %parallel_loop3A_483 : f32 to vector<16xf32>
      %parallel_loop3A_485 = arith.subf %parallel_loop3A_484, %parallel_loop3A_481 : vector<16xf32>
      %parallel_loop3A_486 = arith.constant 5.000000e-01 : f32
      %parallel_loop3A_487 = vector.broadcast %parallel_loop3A_486 : f32 to vector<16xf32>
      %parallel_loop3A_488 = arith.mulf %parallel_loop3A_487, %parallel_loop3A_482 : vector<16xf32>
      %parallel_loop3A_489 = arith.addf %parallel_loop3A_485, %parallel_loop3A_488 : vector<16xf32>
      %parallel_loop3A_490 = arith.constant 2.000000e+00 : f32
      %parallel_loop3A_491 = vector.broadcast %parallel_loop3A_490 : f32 to vector<16xf32>
      %parallel_loop3A_492 = arith.subf %parallel_loop3A_491, %parallel_loop3A_480 : vector<16xf32>
      %parallel_loop3A_493 = arith.mulf %parallel_loop3A_492, %parallel_loop3A_492 : vector<16xf32>
      %parallel_loop3A_494 = arith.mulf %parallel_loop3A_493, %parallel_loop3A_492 : vector<16xf32>
      %parallel_loop3A_495 = arith.constant 0.166666672 : f32
      %parallel_loop3A_496 = vector.broadcast %parallel_loop3A_495 : f32 to vector<16xf32>
      %parallel_loop3A_497 = arith.mulf %parallel_loop3A_496, %parallel_loop3A_494 : vector<16xf32>
      %parallel_loop3A_498 = arith.constant 1.000000e+00 : f32
      %parallel_loop3A_499 = vector.broadcast %parallel_loop3A_498 : f32 to vector<16xf32>
      %parallel_loop3A_500 = arith.cmpf olt, %parallel_loop3A_480, %parallel_loop3A_499 : vector<16xf32>
      %parallel_loop3A_501 = arith.constant 0.000000e+00 : f32
      %parallel_loop3A_502 = vector.broadcast %parallel_loop3A_501 : f32 to vector<16xf32>
      %parallel_loop3A_503 = arith.maximumf %parallel_loop3A_497, %parallel_loop3A_502 : vector<16xf32>
      %parallel_loop3A_504 = arith.select %parallel_loop3A_500, %parallel_loop3A_489, %parallel_loop3A_503 : vector<16xi1>, vector<16xf32>
      %parallel_loop3A_505 = arith.constant 1.000000e+01 : f32
      %parallel_loop3A_506 = vector.broadcast %parallel_loop3A_505 : f32 to vector<16xf32>
      %parallel_loop3A_507 = arith.mulf %parallel_loop3A_504, %parallel_loop3A_506 : vector<16xf32>
      %parallel_loop3A_508 = arith.addf %parallel_loop3A_475, %parallel_loop3A_507 : vector<16xf32>
      %parallel_loop3A_509 = arith.cmpf ogt, %parallel_loop3A_508, %parallel_loop3A_473 : vector<16xf32>
      %parallel_loop3A_510 = arith.maximumf %parallel_loop3A_473, %parallel_loop3A_508 : vector<16xf32>
      %parallel_loop3A_511 = arith.select %parallel_loop3A_509, %add3A_55, %add3A_52 : vector<16xi1>, vector<16xi32>
      %parallel_loop3A_512 = arith.addf %parallel_loop3A_384, %parallel_loop3A_384 : vector<16xf32>
      %parallel_loop3A_513 = arith.subf %parallel_loop3A_512, %parallel_loop3A_438 : vector<16xf32>
      %parallel_loop3A_514 = arith.subf %parallel_loop3A_263, %get3A_47 : vector<16xf32>
      %parallel_loop3A_515 = arith.constant 5.000000e-01 : f32
      %parallel_loop3A_516 = vector.broadcast %parallel_loop3A_515 : f32 to vector<16xf32>
      %parallel_loop3A_517 = arith.mulf %parallel_loop3A_514, %parallel_loop3A_516 : vector<16xf32>
      %parallel_loop3A_518 = math.absf %parallel_loop3A_517 : vector<16xf32>
      %parallel_loop3A_519 = arith.mulf %parallel_loop3A_518, %parallel_loop3A_518 : vector<16xf32>
      %parallel_loop3A_520 = arith.mulf %parallel_loop3A_519, %parallel_loop3A_518 : vector<16xf32>
      %parallel_loop3A_521 = arith.constant 0.666666686 : f32
      %parallel_loop3A_522 = vector.broadcast %parallel_loop3A_521 : f32 to vector<16xf32>
      %parallel_loop3A_523 = arith.subf %parallel_loop3A_522, %parallel_loop3A_519 : vector<16xf32>
      %parallel_loop3A_524 = arith.constant 5.000000e-01 : f32
      %parallel_loop3A_525 = vector.broadcast %parallel_loop3A_524 : f32 to vector<16xf32>
      %parallel_loop3A_526 = arith.mulf %parallel_loop3A_525, %parallel_loop3A_520 : vector<16xf32>
      %parallel_loop3A_527 = arith.addf %parallel_loop3A_523, %parallel_loop3A_526 : vector<16xf32>
      %parallel_loop3A_528 = arith.constant 2.000000e+00 : f32
      %parallel_loop3A_529 = vector.broadcast %parallel_loop3A_528 : f32 to vector<16xf32>
      %parallel_loop3A_530 = arith.subf %parallel_loop3A_529, %parallel_loop3A_518 : vector<16xf32>
      %parallel_loop3A_531 = arith.mulf %parallel_loop3A_530, %parallel_loop3A_530 : vector<16xf32>
      %parallel_loop3A_532 = arith.mulf %parallel_loop3A_531, %parallel_loop3A_530 : vector<16xf32>
      %parallel_loop3A_533 = arith.constant 0.166666672 : f32
      %parallel_loop3A_534 = vector.broadcast %parallel_loop3A_533 : f32 to vector<16xf32>
      %parallel_loop3A_535 = arith.mulf %parallel_loop3A_534, %parallel_loop3A_532 : vector<16xf32>
      %parallel_loop3A_536 = arith.constant 1.000000e+00 : f32
      %parallel_loop3A_537 = vector.broadcast %parallel_loop3A_536 : f32 to vector<16xf32>
      %parallel_loop3A_538 = arith.cmpf olt, %parallel_loop3A_518, %parallel_loop3A_537 : vector<16xf32>
      %parallel_loop3A_539 = arith.constant 0.000000e+00 : f32
      %parallel_loop3A_540 = vector.broadcast %parallel_loop3A_539 : f32 to vector<16xf32>
      %parallel_loop3A_541 = arith.maximumf %parallel_loop3A_535, %parallel_loop3A_540 : vector<16xf32>
      %parallel_loop3A_542 = arith.select %parallel_loop3A_538, %parallel_loop3A_527, %parallel_loop3A_541 : vector<16xi1>, vector<16xf32>
      %parallel_loop3A_543 = arith.constant 1.000000e+01 : f32
      %parallel_loop3A_544 = vector.broadcast %parallel_loop3A_543 : f32 to vector<16xf32>
      %parallel_loop3A_545 = arith.mulf %parallel_loop3A_542, %parallel_loop3A_544 : vector<16xf32>
      %parallel_loop3A_546 = arith.addf %parallel_loop3A_513, %parallel_loop3A_545 : vector<16xf32>
      %parallel_loop3A_547 = arith.cmpf ogt, %parallel_loop3A_546, %parallel_loop3A_510 : vector<16xf32>
      %parallel_loop3A_548 = arith.maximumf %parallel_loop3A_510, %parallel_loop3A_546 : vector<16xf32>
      %parallel_loop3A_549 = arith.select %parallel_loop3A_547, %add3A_58, %parallel_loop3A_511 : vector<16xi1>, vector<16xi32>
      %parallel_loop3A_550 = arith.addf %parallel_loop3A_426, %parallel_loop3A_426 : vector<16xf32>
      %parallel_loop3A_551 = arith.subf %parallel_loop3A_550, %parallel_loop3A_438 : vector<16xf32>
      %parallel_loop3A_552 = arith.subf %parallel_loop3A_263, %get3A_49 : vector<16xf32>
      %parallel_loop3A_553 = arith.constant 5.000000e-01 : f32
      %parallel_loop3A_554 = vector.broadcast %parallel_loop3A_553 : f32 to vector<16xf32>
      %parallel_loop3A_555 = arith.mulf %parallel_loop3A_552, %parallel_loop3A_554 : vector<16xf32>
      %parallel_loop3A_556 = math.absf %parallel_loop3A_555 : vector<16xf32>
      %parallel_loop3A_557 = arith.mulf %parallel_loop3A_556, %parallel_loop3A_556 : vector<16xf32>
      %parallel_loop3A_558 = arith.mulf %parallel_loop3A_557, %parallel_loop3A_556 : vector<16xf32>
      %parallel_loop3A_559 = arith.constant 0.666666686 : f32
      %parallel_loop3A_560 = vector.broadcast %parallel_loop3A_559 : f32 to vector<16xf32>
      %parallel_loop3A_561 = arith.subf %parallel_loop3A_560, %parallel_loop3A_557 : vector<16xf32>
      %parallel_loop3A_562 = arith.constant 5.000000e-01 : f32
      %parallel_loop3A_563 = vector.broadcast %parallel_loop3A_562 : f32 to vector<16xf32>
      %parallel_loop3A_564 = arith.mulf %parallel_loop3A_563, %parallel_loop3A_558 : vector<16xf32>
      %parallel_loop3A_565 = arith.addf %parallel_loop3A_561, %parallel_loop3A_564 : vector<16xf32>
      %parallel_loop3A_566 = arith.constant 2.000000e+00 : f32
      %parallel_loop3A_567 = vector.broadcast %parallel_loop3A_566 : f32 to vector<16xf32>
      %parallel_loop3A_568 = arith.subf %parallel_loop3A_567, %parallel_loop3A_556 : vector<16xf32>
      %parallel_loop3A_569 = arith.mulf %parallel_loop3A_568, %parallel_loop3A_568 : vector<16xf32>
      %parallel_loop3A_570 = arith.mulf %parallel_loop3A_569, %parallel_loop3A_568 : vector<16xf32>
      %parallel_loop3A_571 = arith.constant 0.166666672 : f32
      %parallel_loop3A_572 = vector.broadcast %parallel_loop3A_571 : f32 to vector<16xf32>
      %parallel_loop3A_573 = arith.mulf %parallel_loop3A_572, %parallel_loop3A_570 : vector<16xf32>
      %parallel_loop3A_574 = arith.constant 1.000000e+00 : f32
      %parallel_loop3A_575 = vector.broadcast %parallel_loop3A_574 : f32 to vector<16xf32>
      %parallel_loop3A_576 = arith.cmpf olt, %parallel_loop3A_556, %parallel_loop3A_575 : vector<16xf32>
      %parallel_loop3A_577 = arith.constant 0.000000e+00 : f32
      %parallel_loop3A_578 = vector.broadcast %parallel_loop3A_577 : f32 to vector<16xf32>
      %parallel_loop3A_579 = arith.maximumf %parallel_loop3A_573, %parallel_loop3A_578 : vector<16xf32>
      %parallel_loop3A_580 = arith.select %parallel_loop3A_576, %parallel_loop3A_565, %parallel_loop3A_579 : vector<16xi1>, vector<16xf32>
      %parallel_loop3A_581 = arith.constant 1.000000e+01 : f32
      %parallel_loop3A_582 = vector.broadcast %parallel_loop3A_581 : f32 to vector<16xf32>
      %parallel_loop3A_583 = arith.mulf %parallel_loop3A_580, %parallel_loop3A_582 : vector<16xf32>
      %parallel_loop3A_584 = arith.addf %parallel_loop3A_551, %parallel_loop3A_583 : vector<16xf32>
      %parallel_loop3A_585 = arith.cmpf ogt, %parallel_loop3A_584, %parallel_loop3A_548 : vector<16xf32>
      %parallel_loop3A_586 = arith.maximumf %parallel_loop3A_548, %parallel_loop3A_584 : vector<16xf32>
      %parallel_loop3A_587 = arith.select %parallel_loop3A_585, %add3A_61, %parallel_loop3A_549 : vector<16xi1>, vector<16xi32>
      %parallel_loop3A_588 = arith.constant true
      %parallel_loop3A_589 = vector.broadcast %parallel_loop3A_588 : i1 to vector<16xi1>
      %parallel_loop3A_590 = tpu.scan <max>, %parallel_loop3A_586 masked %parallel_loop3A_589 : vector<16xf32>, vector<16xi1> -> vector<16xf32>
      %parallel_loop3A_591 = vector.extract %parallel_loop3A_590[15] : f32 from vector<16xf32>
      %parallel_loop3A_592 = vector.broadcast %parallel_loop3A_591 : f32 to vector<16xf32>
      %parallel_loop3A_593 = arith.constant 64 : i32
      %parallel_loop3A_594 = vector.broadcast %parallel_loop3A_593 : i32 to vector<16xi32>
      %parallel_loop3A_595 = arith.cmpf oeq, %parallel_loop3A_586, %parallel_loop3A_592 : vector<16xf32>
      %parallel_loop3A_596 = arith.select %parallel_loop3A_595, %parallel_loop3A_587, %parallel_loop3A_594 : vector<16xi1>, vector<16xi32>
      %parallel_loop3A_597 = arith.constant true
      %parallel_loop3A_598 = vector.broadcast %parallel_loop3A_597 : i1 to vector<16xi1>
      %parallel_loop3A_599 = arith.constant -2147483648 : i32
      %parallel_loop3A_600 = vector.broadcast %parallel_loop3A_599 : i32 to vector<16xi32>
      %parallel_loop3A_601 = arith.xori %parallel_loop3A_596, %parallel_loop3A_600 : vector<16xi32>
      %parallel_loop3A_602 = tpu.scan <min>, %parallel_loop3A_601 masked %parallel_loop3A_598 : vector<16xi32>, vector<16xi1> -> vector<16xi32>
      %parallel_loop3A_603 = arith.xori %parallel_loop3A_602, %parallel_loop3A_600 : vector<16xi32>
      %parallel_loop3A_604 = vector.extract %parallel_loop3A_603[15] : i32 from vector<16xi32>
      %parallel_loop3A_605 = vector.broadcast %parallel_loop3A_604 : i32 to vector<16xi32>
      tpu.vector_store_idx %arg14[%parallel_loop3A_262], %parallel_loop3A_605 masked %eq3A_18 : memref<256xi32, #tpu.memory_space<vmem>>[vector<16xi32>], vector<16xi32>, vector<16xi1>
    } {sc.loop_unroll_factor = 8 : i64, sc.parallel_access}
    %get3A_64 = arith.constant 0 : index
    %get3A_65 = tpu.vector_load %arg14[%get3A_64] {strides = array<i32>} : memref<256xi32, #tpu.memory_space<vmem>>, vector<16xi32>,
    %get3A_66 = arith.constant 0 : index
    %get3A_67 = tpu.vector_load %arg11[%get3A_66] {strides = array<i32>} : memref<256xi32, #tpu.memory_space<vmem>>, vector<16xi32>,
    %mul3A_68 = arith.constant 64 : i32
    %mul3A_69 = vector.broadcast %mul3A_68 : i32 to vector<16xi32>
    %mul3A_70 = arith.muli %get3A_67, %mul3A_69 : vector<16xi32>
    %add3A_71 = arith.addi %mul3A_70, %get3A_65 : vector<16xi32>
    %gather3A = tpu.vector_load_idx %arg13[%add3A_71] : memref<128xf32, #tpu.memory_space<vmem>>[vector<16xi32>], vector<16xf32>,
    %convert_element_type3A = arith.fptosi %gather3A : vector<16xf32> to vector<16xi32>
    %swap3A = arith.constant 0 : index
    %swap3A_72 = tpu.vector_load %arg15[%swap3A] {strides = array<i32>} : memref<256xi32, #tpu.memory_space<vmem>>, vector<16xi32>,
    tpu.vector_store %arg15[%swap3A], %convert_element_type3A {strides = array<i32>} : memref<256xi32, #tpu.memory_space<vmem>>, vector<16xi32>,
    %get3A_73 = arith.constant 16 : index
    %get3A_74 = tpu.vector_load %arg14[%get3A_73] {strides = array<i32>} : memref<256xi32, #tpu.memory_space<vmem>>, vector<16xi32>,
    %get3A_75 = arith.constant 16 : index
    %get3A_76 = tpu.vector_load %arg11[%get3A_75] {strides = array<i32>} : memref<256xi32, #tpu.memory_space<vmem>>, vector<16xi32>,
    %mul3A_77 = arith.constant 64 : i32
    %mul3A_78 = vector.broadcast %mul3A_77 : i32 to vector<16xi32>
    %mul3A_79 = arith.muli %get3A_76, %mul3A_78 : vector<16xi32>
    %add3A_80 = arith.addi %mul3A_79, %get3A_74 : vector<16xi32>
    %gather3A_81 = tpu.vector_load_idx %arg13[%add3A_80] : memref<128xf32, #tpu.memory_space<vmem>>[vector<16xi32>], vector<16xf32>,
    %convert_element_type3A_82 = arith.fptosi %gather3A_81 : vector<16xf32> to vector<16xi32>
    %swap3A_83 = arith.constant 16 : index
    %swap3A_84 = tpu.vector_load %arg15[%swap3A_83] {strides = array<i32>} : memref<256xi32, #tpu.memory_space<vmem>>, vector<16xi32>,
    tpu.vector_store %arg15[%swap3A_83], %convert_element_type3A_82 {strides = array<i32>} : memref<256xi32, #tpu.memory_space<vmem>>, vector<16xi32>,
    %get3A_85 = arith.constant 32 : index
    %get3A_86 = tpu.vector_load %arg14[%get3A_85] {strides = array<i32>} : memref<256xi32, #tpu.memory_space<vmem>>, vector<16xi32>,
    %get3A_87 = arith.constant 32 : index
    %get3A_88 = tpu.vector_load %arg11[%get3A_87] {strides = array<i32>} : memref<256xi32, #tpu.memory_space<vmem>>, vector<16xi32>,
    %mul3A_89 = arith.constant 64 : i32
    %mul3A_90 = vector.broadcast %mul3A_89 : i32 to vector<16xi32>
    %mul3A_91 = arith.muli %get3A_88, %mul3A_90 : vector<16xi32>
    %add3A_92 = arith.addi %mul3A_91, %get3A_86 : vector<16xi32>
    %gather3A_93 = tpu.vector_load_idx %arg13[%add3A_92] : memref<128xf32, #tpu.memory_space<vmem>>[vector<16xi32>], vector<16xf32>,
    %convert_element_type3A_94 = arith.fptosi %gather3A_93 : vector<16xf32> to vector<16xi32>
    %swap3A_95 = arith.constant 32 : index
    %swap3A_96 = tpu.vector_load %arg15[%swap3A_95] {strides = array<i32>} : memref<256xi32, #tpu.memory_space<vmem>>, vector<16xi32>,
    tpu.vector_store %arg15[%swap3A_95], %convert_element_type3A_94 {strides = array<i32>} : memref<256xi32, #tpu.memory_space<vmem>>, vector<16xi32>,
    %get3A_97 = arith.constant 48 : index
    %get3A_98 = tpu.vector_load %arg14[%get3A_97] {strides = array<i32>} : memref<256xi32, #tpu.memory_space<vmem>>, vector<16xi32>,
    %get3A_99 = arith.constant 48 : index
    %get3A_100 = tpu.vector_load %arg11[%get3A_99] {strides = array<i32>} : memref<256xi32, #tpu.memory_space<vmem>>, vector<16xi32>,
    %mul3A_101 = arith.constant 64 : i32
    %mul3A_102 = vector.broadcast %mul3A_101 : i32 to vector<16xi32>
    %mul3A_103 = arith.muli %get3A_100, %mul3A_102 : vector<16xi32>
    %add3A_104 = arith.addi %mul3A_103, %get3A_98 : vector<16xi32>
    %gather3A_105 = tpu.vector_load_idx %arg13[%add3A_104] : memref<128xf32, #tpu.memory_space<vmem>>[vector<16xi32>], vector<16xf32>,
    %convert_element_type3A_106 = arith.fptosi %gather3A_105 : vector<16xf32> to vector<16xi32>
    %swap3A_107 = arith.constant 48 : index
    %swap3A_108 = tpu.vector_load %arg15[%swap3A_107] {strides = array<i32>} : memref<256xi32, #tpu.memory_space<vmem>>, vector<16xi32>,
    tpu.vector_store %arg15[%swap3A_107], %convert_element_type3A_106 {strides = array<i32>} : memref<256xi32, #tpu.memory_space<vmem>>, vector<16xi32>,
    %get3A_109 = arith.constant 64 : index
    %get3A_110 = tpu.vector_load %arg14[%get3A_109] {strides = array<i32>} : memref<256xi32, #tpu.memory_space<vmem>>, vector<16xi32>,
    %get3A_111 = arith.constant 64 : index
    %get3A_112 = tpu.vector_load %arg11[%get3A_111] {strides = array<i32>} : memref<256xi32, #tpu.memory_space<vmem>>, vector<16xi32>,
    %mul3A_113 = arith.constant 64 : i32
    %mul3A_114 = vector.broadcast %mul3A_113 : i32 to vector<16xi32>
    %mul3A_115 = arith.muli %get3A_112, %mul3A_114 : vector<16xi32>
    %add3A_116 = arith.addi %mul3A_115, %get3A_110 : vector<16xi32>
    %gather3A_117 = tpu.vector_load_idx %arg13[%add3A_116] : memref<128xf32, #tpu.memory_space<vmem>>[vector<16xi32>], vector<16xf32>,
    %convert_element_type3A_118 = arith.fptosi %gather3A_117 : vector<16xf32> to vector<16xi32>
    %swap3A_119 = arith.constant 64 : index
    %swap3A_120 = tpu.vector_load %arg15[%swap3A_119] {strides = array<i32>} : memref<256xi32, #tpu.memory_space<vmem>>, vector<16xi32>,
    tpu.vector_store %arg15[%swap3A_119], %convert_element_type3A_118 {strides = array<i32>} : memref<256xi32, #tpu.memory_space<vmem>>, vector<16xi32>,
    %get3A_121 = arith.constant 80 : index
    %get3A_122 = tpu.vector_load %arg14[%get3A_121] {strides = array<i32>} : memref<256xi32, #tpu.memory_space<vmem>>, vector<16xi32>,
    %get3A_123 = arith.constant 80 : index
    %get3A_124 = tpu.vector_load %arg11[%get3A_123] {strides = array<i32>} : memref<256xi32, #tpu.memory_space<vmem>>, vector<16xi32>,
    %mul3A_125 = arith.constant 64 : i32
    %mul3A_126 = vector.broadcast %mul3A_125 : i32 to vector<16xi32>
    %mul3A_127 = arith.muli %get3A_124, %mul3A_126 : vector<16xi32>
    %add3A_128 = arith.addi %mul3A_127, %get3A_122 : vector<16xi32>
    %gather3A_129 = tpu.vector_load_idx %arg13[%add3A_128] : memref<128xf32, #tpu.memory_space<vmem>>[vector<16xi32>], vector<16xf32>,
    %convert_element_type3A_130 = arith.fptosi %gather3A_129 : vector<16xf32> to vector<16xi32>
    %swap3A_131 = arith.constant 80 : index
    %swap3A_132 = tpu.vector_load %arg15[%swap3A_131] {strides = array<i32>} : memref<256xi32, #tpu.memory_space<vmem>>, vector<16xi32>,
    tpu.vector_store %arg15[%swap3A_131], %convert_element_type3A_130 {strides = array<i32>} : memref<256xi32, #tpu.memory_space<vmem>>, vector<16xi32>,
    %get3A_133 = arith.constant 96 : index
    %get3A_134 = tpu.vector_load %arg14[%get3A_133] {strides = array<i32>} : memref<256xi32, #tpu.memory_space<vmem>>, vector<16xi32>,
    %get3A_135 = arith.constant 96 : index
    %get3A_136 = tpu.vector_load %arg11[%get3A_135] {strides = array<i32>} : memref<256xi32, #tpu.memory_space<vmem>>, vector<16xi32>,
    %mul3A_137 = arith.constant 64 : i32
    %mul3A_138 = vector.broadcast %mul3A_137 : i32 to vector<16xi32>
    %mul3A_139 = arith.muli %get3A_136, %mul3A_138 : vector<16xi32>
    %add3A_140 = arith.addi %mul3A_139, %get3A_134 : vector<16xi32>
    %gather3A_141 = tpu.vector_load_idx %arg13[%add3A_140] : memref<128xf32, #tpu.memory_space<vmem>>[vector<16xi32>], vector<16xf32>,
    %convert_element_type3A_142 = arith.fptosi %gather3A_141 : vector<16xf32> to vector<16xi32>
    %swap3A_143 = arith.constant 96 : index
    %swap3A_144 = tpu.vector_load %arg15[%swap3A_143] {strides = array<i32>} : memref<256xi32, #tpu.memory_space<vmem>>, vector<16xi32>,
    tpu.vector_store %arg15[%swap3A_143], %convert_element_type3A_142 {strides = array<i32>} : memref<256xi32, #tpu.memory_space<vmem>>, vector<16xi32>,
    %get3A_145 = arith.constant 112 : index
    %get3A_146 = tpu.vector_load %arg14[%get3A_145] {strides = array<i32>} : memref<256xi32, #tpu.memory_space<vmem>>, vector<16xi32>,
    %get3A_147 = arith.constant 112 : index
    %get3A_148 = tpu.vector_load %arg11[%get3A_147] {strides = array<i32>} : memref<256xi32, #tpu.memory_space<vmem>>, vector<16xi32>,
    %mul3A_149 = arith.constant 64 : i32
    %mul3A_150 = vector.broadcast %mul3A_149 : i32 to vector<16xi32>
    %mul3A_151 = arith.muli %get3A_148, %mul3A_150 : vector<16xi32>
    %add3A_152 = arith.addi %mul3A_151, %get3A_146 : vector<16xi32>
    %gather3A_153 = tpu.vector_load_idx %arg13[%add3A_152] : memref<128xf32, #tpu.memory_space<vmem>>[vector<16xi32>], vector<16xf32>,
    %convert_element_type3A_154 = arith.fptosi %gather3A_153 : vector<16xf32> to vector<16xi32>
    %swap3A_155 = arith.constant 112 : index
    %swap3A_156 = tpu.vector_load %arg15[%swap3A_155] {strides = array<i32>} : memref<256xi32, #tpu.memory_space<vmem>>, vector<16xi32>,
    tpu.vector_store %arg15[%swap3A_155], %convert_element_type3A_154 {strides = array<i32>} : memref<256xi32, #tpu.memory_space<vmem>>, vector<16xi32>,
    %get3A_157 = arith.constant 128 : index
    %get3A_158 = tpu.vector_load %arg14[%get3A_157] {strides = array<i32>} : memref<256xi32, #tpu.memory_space<vmem>>, vector<16xi32>,
    %get3A_159 = arith.constant 128 : index
    %get3A_160 = tpu.vector_load %arg11[%get3A_159] {strides = array<i32>} : memref<256xi32, #tpu.memory_space<vmem>>, vector<16xi32>,
    %mul3A_161 = arith.constant 64 : i32
    %mul3A_162 = vector.broadcast %mul3A_161 : i32 to vector<16xi32>
    %mul3A_163 = arith.muli %get3A_160, %mul3A_162 : vector<16xi32>
    %add3A_164 = arith.addi %mul3A_163, %get3A_158 : vector<16xi32>
    %gather3A_165 = tpu.vector_load_idx %arg13[%add3A_164] : memref<128xf32, #tpu.memory_space<vmem>>[vector<16xi32>], vector<16xf32>,
    %convert_element_type3A_166 = arith.fptosi %gather3A_165 : vector<16xf32> to vector<16xi32>
    %swap3A_167 = arith.constant 128 : index
    %swap3A_168 = tpu.vector_load %arg15[%swap3A_167] {strides = array<i32>} : memref<256xi32, #tpu.memory_space<vmem>>, vector<16xi32>,
    tpu.vector_store %arg15[%swap3A_167], %convert_element_type3A_166 {strides = array<i32>} : memref<256xi32, #tpu.memory_space<vmem>>, vector<16xi32>,
    %get3A_169 = arith.constant 144 : index
    %get3A_170 = tpu.vector_load %arg14[%get3A_169] {strides = array<i32>} : memref<256xi32, #tpu.memory_space<vmem>>, vector<16xi32>,
    %get3A_171 = arith.constant 144 : index
    %get3A_172 = tpu.vector_load %arg11[%get3A_171] {strides = array<i32>} : memref<256xi32, #tpu.memory_space<vmem>>, vector<16xi32>,
    %mul3A_173 = arith.constant 64 : i32
    %mul3A_174 = vector.broadcast %mul3A_173 : i32 to vector<16xi32>
    %mul3A_175 = arith.muli %get3A_172, %mul3A_174 : vector<16xi32>
    %add3A_176 = arith.addi %mul3A_175, %get3A_170 : vector<16xi32>
    %gather3A_177 = tpu.vector_load_idx %arg13[%add3A_176] : memref<128xf32, #tpu.memory_space<vmem>>[vector<16xi32>], vector<16xf32>,
    %convert_element_type3A_178 = arith.fptosi %gather3A_177 : vector<16xf32> to vector<16xi32>
    %swap3A_179 = arith.constant 144 : index
    %swap3A_180 = tpu.vector_load %arg15[%swap3A_179] {strides = array<i32>} : memref<256xi32, #tpu.memory_space<vmem>>, vector<16xi32>,
    tpu.vector_store %arg15[%swap3A_179], %convert_element_type3A_178 {strides = array<i32>} : memref<256xi32, #tpu.memory_space<vmem>>, vector<16xi32>,
    %get3A_181 = arith.constant 160 : index
    %get3A_182 = tpu.vector_load %arg14[%get3A_181] {strides = array<i32>} : memref<256xi32, #tpu.memory_space<vmem>>, vector<16xi32>,
    %get3A_183 = arith.constant 160 : index
    %get3A_184 = tpu.vector_load %arg11[%get3A_183] {strides = array<i32>} : memref<256xi32, #tpu.memory_space<vmem>>, vector<16xi32>,
    %mul3A_185 = arith.constant 64 : i32
    %mul3A_186 = vector.broadcast %mul3A_185 : i32 to vector<16xi32>
    %mul3A_187 = arith.muli %get3A_184, %mul3A_186 : vector<16xi32>
    %add3A_188 = arith.addi %mul3A_187, %get3A_182 : vector<16xi32>
    %gather3A_189 = tpu.vector_load_idx %arg13[%add3A_188] : memref<128xf32, #tpu.memory_space<vmem>>[vector<16xi32>], vector<16xf32>,
    %convert_element_type3A_190 = arith.fptosi %gather3A_189 : vector<16xf32> to vector<16xi32>
    %swap3A_191 = arith.constant 160 : index
    %swap3A_192 = tpu.vector_load %arg15[%swap3A_191] {strides = array<i32>} : memref<256xi32, #tpu.memory_space<vmem>>, vector<16xi32>,
    tpu.vector_store %arg15[%swap3A_191], %convert_element_type3A_190 {strides = array<i32>} : memref<256xi32, #tpu.memory_space<vmem>>, vector<16xi32>,
    %get3A_193 = arith.constant 176 : index
    %get3A_194 = tpu.vector_load %arg14[%get3A_193] {strides = array<i32>} : memref<256xi32, #tpu.memory_space<vmem>>, vector<16xi32>,
    %get3A_195 = arith.constant 176 : index
    %get3A_196 = tpu.vector_load %arg11[%get3A_195] {strides = array<i32>} : memref<256xi32, #tpu.memory_space<vmem>>, vector<16xi32>,
    %mul3A_197 = arith.constant 64 : i32
    %mul3A_198 = vector.broadcast %mul3A_197 : i32 to vector<16xi32>
    %mul3A_199 = arith.muli %get3A_196, %mul3A_198 : vector<16xi32>
    %add3A_200 = arith.addi %mul3A_199, %get3A_194 : vector<16xi32>
    %gather3A_201 = tpu.vector_load_idx %arg13[%add3A_200] : memref<128xf32, #tpu.memory_space<vmem>>[vector<16xi32>], vector<16xf32>,
    %convert_element_type3A_202 = arith.fptosi %gather3A_201 : vector<16xf32> to vector<16xi32>
    %swap3A_203 = arith.constant 176 : index
    %swap3A_204 = tpu.vector_load %arg15[%swap3A_203] {strides = array<i32>} : memref<256xi32, #tpu.memory_space<vmem>>, vector<16xi32>,
    tpu.vector_store %arg15[%swap3A_203], %convert_element_type3A_202 {strides = array<i32>} : memref<256xi32, #tpu.memory_space<vmem>>, vector<16xi32>,
    %get3A_205 = arith.constant 192 : index
    %get3A_206 = tpu.vector_load %arg14[%get3A_205] {strides = array<i32>} : memref<256xi32, #tpu.memory_space<vmem>>, vector<16xi32>,
    %get3A_207 = arith.constant 192 : index
    %get3A_208 = tpu.vector_load %arg11[%get3A_207] {strides = array<i32>} : memref<256xi32, #tpu.memory_space<vmem>>, vector<16xi32>,
    %mul3A_209 = arith.constant 64 : i32
    %mul3A_210 = vector.broadcast %mul3A_209 : i32 to vector<16xi32>
    %mul3A_211 = arith.muli %get3A_208, %mul3A_210 : vector<16xi32>
    %add3A_212 = arith.addi %mul3A_211, %get3A_206 : vector<16xi32>
    %gather3A_213 = tpu.vector_load_idx %arg13[%add3A_212] : memref<128xf32, #tpu.memory_space<vmem>>[vector<16xi32>], vector<16xf32>,
    %convert_element_type3A_214 = arith.fptosi %gather3A_213 : vector<16xf32> to vector<16xi32>
    %swap3A_215 = arith.constant 192 : index
    %swap3A_216 = tpu.vector_load %arg15[%swap3A_215] {strides = array<i32>} : memref<256xi32, #tpu.memory_space<vmem>>, vector<16xi32>,
    tpu.vector_store %arg15[%swap3A_215], %convert_element_type3A_214 {strides = array<i32>} : memref<256xi32, #tpu.memory_space<vmem>>, vector<16xi32>,
    %get3A_217 = arith.constant 208 : index
    %get3A_218 = tpu.vector_load %arg14[%get3A_217] {strides = array<i32>} : memref<256xi32, #tpu.memory_space<vmem>>, vector<16xi32>,
    %get3A_219 = arith.constant 208 : index
    %get3A_220 = tpu.vector_load %arg11[%get3A_219] {strides = array<i32>} : memref<256xi32, #tpu.memory_space<vmem>>, vector<16xi32>,
    %mul3A_221 = arith.constant 64 : i32
    %mul3A_222 = vector.broadcast %mul3A_221 : i32 to vector<16xi32>
    %mul3A_223 = arith.muli %get3A_220, %mul3A_222 : vector<16xi32>
    %add3A_224 = arith.addi %mul3A_223, %get3A_218 : vector<16xi32>
    %gather3A_225 = tpu.vector_load_idx %arg13[%add3A_224] : memref<128xf32, #tpu.memory_space<vmem>>[vector<16xi32>], vector<16xf32>,
    %convert_element_type3A_226 = arith.fptosi %gather3A_225 : vector<16xf32> to vector<16xi32>
    %swap3A_227 = arith.constant 208 : index
    %swap3A_228 = tpu.vector_load %arg15[%swap3A_227] {strides = array<i32>} : memref<256xi32, #tpu.memory_space<vmem>>, vector<16xi32>,
    tpu.vector_store %arg15[%swap3A_227], %convert_element_type3A_226 {strides = array<i32>} : memref<256xi32, #tpu.memory_space<vmem>>, vector<16xi32>,
    %get3A_229 = arith.constant 224 : index
    %get3A_230 = tpu.vector_load %arg14[%get3A_229] {strides = array<i32>} : memref<256xi32, #tpu.memory_space<vmem>>, vector<16xi32>,
    %get3A_231 = arith.constant 224 : index
    %get3A_232 = tpu.vector_load %arg11[%get3A_231] {strides = array<i32>} : memref<256xi32, #tpu.memory_space<vmem>>, vector<16xi32>,
    %mul3A_233 = arith.constant 64 : i32
    %mul3A_234 = vector.broadcast %mul3A_233 : i32 to vector<16xi32>
    %mul3A_235 = arith.muli %get3A_232, %mul3A_234 : vector<16xi32>
    %add3A_236 = arith.addi %mul3A_235, %get3A_230 : vector<16xi32>
    %gather3A_237 = tpu.vector_load_idx %arg13[%add3A_236] : memref<128xf32, #tpu.memory_space<vmem>>[vector<16xi32>], vector<16xf32>,
    %convert_element_type3A_238 = arith.fptosi %gather3A_237 : vector<16xf32> to vector<16xi32>
    %swap3A_239 = arith.constant 224 : index
    %swap3A_240 = tpu.vector_load %arg15[%swap3A_239] {strides = array<i32>} : memref<256xi32, #tpu.memory_space<vmem>>, vector<16xi32>,
    tpu.vector_store %arg15[%swap3A_239], %convert_element_type3A_238 {strides = array<i32>} : memref<256xi32, #tpu.memory_space<vmem>>, vector<16xi32>,
    %get3A_241 = arith.constant 240 : index
    %get3A_242 = tpu.vector_load %arg14[%get3A_241] {strides = array<i32>} : memref<256xi32, #tpu.memory_space<vmem>>, vector<16xi32>,
    %get3A_243 = arith.constant 240 : index
    %get3A_244 = tpu.vector_load %arg11[%get3A_243] {strides = array<i32>} : memref<256xi32, #tpu.memory_space<vmem>>, vector<16xi32>,
    %mul3A_245 = arith.constant 64 : i32
    %mul3A_246 = vector.broadcast %mul3A_245 : i32 to vector<16xi32>
    %mul3A_247 = arith.muli %get3A_244, %mul3A_246 : vector<16xi32>
    %add3A_248 = arith.addi %mul3A_247, %get3A_242 : vector<16xi32>
    %gather3A_249 = tpu.vector_load_idx %arg13[%add3A_248] : memref<128xf32, #tpu.memory_space<vmem>>[vector<16xi32>], vector<16xf32>,
    %convert_element_type3A_250 = arith.fptosi %gather3A_249 : vector<16xf32> to vector<16xi32>
    %swap3A_251 = arith.constant 240 : index
    %swap3A_252 = tpu.vector_load %arg15[%swap3A_251] {strides = array<i32>} : memref<256xi32, #tpu.memory_space<vmem>>, vector<16xi32>,
    tpu.vector_store %arg15[%swap3A_251], %convert_element_type3A_250 {strides = array<i32>} : memref<256xi32, #tpu.memory_space<vmem>>, vector<16xi32>,
    %dma_start3A_253 = tpu.memref_slice %arg7[%mul3A_2] : memref<8192xi32, #tpu.memory_space<hbm>> -> memref<256xi32, #tpu.memory_space<hbm>>
    %dma_start3A_254 = tpu.memref_slice %arg7[%mul3A_2] : memref<8192xi32, #tpu.memory_space<hbm>> -> memref<256xi32, #tpu.memory_space<hbm>>
    tpu.enqueue_dma source(%arg14 : memref<256xi32, #tpu.memory_space<vmem>>) target(%dma_start3A_254 : memref<256xi32, #tpu.memory_space<hbm>>) target_semaphore(%arg16 : memref<!tpu.dma_semaphore, #tpu.memory_space<semaphore_mem>>)
    %dma_start3A_255 = tpu.memref_slice %arg8[%mul3A_2] : memref<8192xi32, #tpu.memory_space<hbm>> -> memref<256xi32, #tpu.memory_space<hbm>>
    %dma_start3A_256 = tpu.memref_slice %arg8[%mul3A_2] : memref<8192xi32, #tpu.memory_space<hbm>> -> memref<256xi32, #tpu.memory_space<hbm>>
    tpu.enqueue_dma source(%arg15 : memref<256xi32, #tpu.memory_space<vmem>>) target(%dma_start3A_256 : memref<256xi32, #tpu.memory_space<hbm>>) target_semaphore(%arg16 : memref<!tpu.dma_semaphore, #tpu.memory_space<semaphore_mem>>)
    %dma_wait3A_257 = tpu.memref_slice %arg7[%mul3A_2] : memref<8192xi32, #tpu.memory_space<hbm>> -> memref<256xi32, #tpu.memory_space<hbm>>
    %dma_wait3A_258 = tpu.memref_slice %arg7[%mul3A_2] : memref<8192xi32, #tpu.memory_space<hbm>> -> memref<256xi32, #tpu.memory_space<hbm>>
    tpu.wait_dma2 semaphore(%arg16 : memref<!tpu.dma_semaphore, #tpu.memory_space<semaphore_mem>>) src(%arg14 : memref<256xi32, #tpu.memory_space<vmem>>) dst(%dma_wait3A_258 : memref<256xi32, #tpu.memory_space<hbm>>)
    %dma_wait3A_259 = tpu.memref_slice %arg8[%mul3A_2] : memref<8192xi32, #tpu.memory_space<hbm>> -> memref<256xi32, #tpu.memory_space<hbm>>
    %dma_wait3A_260 = tpu.memref_slice %arg8[%mul3A_2] : memref<8192xi32, #tpu.memory_space<hbm>> -> memref<256xi32, #tpu.memory_space<hbm>>
    tpu.wait_dma2 semaphore(%arg16 : memref<!tpu.dma_semaphore, #tpu.memory_space<semaphore_mem>>) src(%arg15 : memref<256xi32, #tpu.memory_space<vmem>>) dst(%dma_wait3A_260 : memref<256xi32, #tpu.memory_space<hbm>>)
    return
  }
}

</mosaic_0001>

<sc_bundles>
// kernel: _route.3.cloned.1.call-start
scs
__scs_entry_jumppad:
0x0: {  	(pc) =	sbr.rel $0x88, $3  }
0x1: {  	(tag) =	ssettag $0x0;
	lr =	simm.s32 $0x1  }
0x2: {  	[smem:$0x3F9C] =	sst lr;
	_ =	strace $0xD0000000  }
0x3: {  	_ = 	snop  }
0x4: {  	_ = 	snop  }
0x5: {  	_ = 	snop  }
0x6: {  	_ = 	snop  }
0x7: {  	_ = 	snop  }
__scs_overlays_trampoline_lowered:
0x8: {  	[smem:$0x3FAB] =	sst s0  }
0x9: {  	[smem:$0x3FAC] =	sst s1  }
0xa: {  	[smem:$0x3FAD] =	sst s2  }
0xb: {  	[smem:$0x3FAE] =	sst s3  }
0xc: {  	[smem:$0x3FAF] =	sst s4  }
0xd: {  	[smem:$0x3FB0] =	sst s5  }
0xe: {  	[smem:$0x3FB1] =	sst s6  }
0xf: {  	[smem:$0x3FB2] =	sst s7  }
0x10: {  	[smem:$0x3FB3] =	sst s8  }
0x11: {  	[smem:$0x3FB4] =	sst s9;
	s0 =	simm.s32 @!p0 $0x0  }
0x12: {  	s1 =	sld [smem:$0x3F9A];
	s0 =	simm.s32 @p0 $0x1  }
0x13: {  	[smem:$0x3FB5] =	sst s0;
	s0 =	simm.s32 @!p1 $0x0  }
0x14: {  	s2 =	sld [smem:$0x3F99];
	s0 =	simm.s32 @p1 $0x1  }
0x15: {  	[smem:$0x3FB6] =	sst s0;
	s0 =	simm.s32 @!p2 $0x0  }
0x16: {  	s3 =	sld [smem:$0x3FDB];
	s0 =	simm.s32 @p2 $0x1  }
0x17: {  	s4 =	simm.s32 $0x1BF5;
	[smem:$0x3FB8] =	sst s0  }
0x18: {  	s0 =	sld [smem:$0x3F9B];
	_ =	swait.ge [sflag:s4], $0x0  }
0x19: {  	s7 =	sld [smem:$0x3F9C]  }
0x1a: {  	s8 =	sadd.s32 $0xFFFFE003, lr  }
0x1b: {  	s9 =	sadd.s32 $0xFFFFFEF7, lr;
	s5 =	simm.s32 $0xFFFFFFFF;
	p2 =	slt.u32 s8, $0xFFFFF086  }
0x1c: {  	p1 =	slt.u32 s9, $0xF7A;
	s5 =	simm.s32 @!p2 $0x0  }
0x1d: {  	s5 =	simm.s32 @p1 $0x1;
	p0 =	seq.s32 s7, s2  }
0x1e: {  	s7 =	smul.u32 @!p0 $0xF7A, s2;
	p2 =	seq.s32 @!p0 s5, $0x0  }
0x1f: {  	s9 =	smul.u32 $0xF7A, s1;
	s8 =	simm.s32 @!p0 $0x1BF5;
	p2 =	por !p2, p0  }
0x20: {  	[sflag:s8] =	ssyncset.s32 @!p0 $0xFFFFF086;
	s6 =	sadd.s32 @!p0 s3, s7;
	s7 =	simm.s32 @!p0 $0x108  }
0x21: {  	s3 =	sadd.s32 s3, s9;
	s6 =	sadd.s32 @!p0 $0x88, s6;
	s7 =	simm.s32 @p2 $0x1082  }
0x22: {  	[simem:s7], [sflag:s8] =	dma.local @!p0 [hbm:s6], $0xF7A  }
0x23: {  	s9 =	sor.u32 $0xD0000000, s2;
	s6 =	simm.s32 $0x108;
	_ =	swait.ge @!p0 [sflag:s8], $0x0  }
0x24: {  	s3 =	sadd.s32 $0x88, s3;
	s6 =	simm.s32 @!p1 $0x1082;
	[sflag:s4] =	ssyncset.s32 $0xFFFFF086  }
0x25: {  	[simem:s6], [sflag:s4] =	dma.local [hbm:s3], $0xF7A  }
0x26: {  	[smem:$0x3F9C] =	sst s1;
	(tag) =	ssettag s2;
	_ =	strace s9  }
0x27: {  	s1 =	sld [smem:$0x3FAC]  }
0x28: {  	s2 =	sld [smem:$0x3FAD]  }
0x29: {  	s4 =	sld [smem:$0x3FAF]  }
0x2a: {  	p0 =	seq.s32 s5, $0x0;
	s5 =	sld [smem:$0x3FB0]  }
0x2b: {  	s6 =	sld [smem:$0x3FB1]  }
0x2c: {  	s7 =	sld [smem:$0x3FB2]  }
0x2d: {  	s3 =	simm.s32 $0x108;
	s8 =	sld [smem:$0x3FB3]  }
0x2e: {  	s3 =	simm.s32 @!p0 $0x1082;
	s9 =	sld [smem:$0x3FB4]  }
0x2f: {  	lr =	sadd.s32 s0, s3;
	s0 =	sld [smem:$0x3FAB]  }
0x30: {  	s3 =	sld [smem:$0x3FAE]  }
0x31: {  	[smem:$0x3FB7] =	sst s10  }
0x32: {  	s10 =	sld [smem:$0x3FB5];
	_ =	sdelay $0x3  }
0x33: {  	p0 =	seq.s32 s10, $0x1;
	s10 =	sld [smem:$0x3FB7];
	_ =	sdelay $0x3  }
0x34: {  	[smem:$0x3FB7] =	sst s10  }
0x35: {  	s10 =	sld [smem:$0x3FB6];
	_ =	sdelay $0x3  }
0x36: {  	p1 =	seq.s32 s10, $0x1;
	s10 =	sld [smem:$0x3FB7];
	_ =	sdelay $0x3  }
0x37: {  	[smem:$0x3FB7] =	sst s10  }
0x38: {  	s10 =	sld [smem:$0x3FB8]  }
0x39: {  	_ = 	snop;
	(pc) =	sbr.ind lr, $3  }
0x3a: {  	_ = 	snop  }
0x3b: {  	_ = 	snop  }
0x3c: {  	p2 =	seq.s32 s10, $0x1;
	s10 =	sld [smem:$0x3FB7]  }
0x3d: {  	_ =	shalt  }
0x3e: {  	_ =	shalt  }
0x3f: {  	_ =	shalt  }
0x40: {  	_ =	shalt  }
0x41: {  	_ =	shalt  }
0x42: {  	_ =	shalt  }
0x43: {  	_ =	shalt  }
0x44: {  	_ =	shalt  }
0x45: {  	_ =	shalt  }
0x46: {  	_ =	shalt  }
0x47: {  	_ =	shalt  }
0x48: {  	_ =	shalt  }
0x49: {  	_ =	shalt  }
0x4a: {  	_ =	shalt  }
0x4b: {  	_ =	shalt  }
0x4c: {  	_ =	shalt  }
0x4d: {  	_ =	shalt  }
0x4e: {  	_ =	shalt  }
0x4f: {  	_ =	shalt  }
0x50: {  	_ =	shalt  }
0x51: {  	_ =	shalt  }
0x52: {  	_ =	shalt  }
0x53: {  	_ =	shalt  }
0x54: {  	_ =	shalt  }
0x55: {  	_ =	shalt  }
0x56: {  	_ =	shalt  }
0x57: {  	_ =	shalt  }
0x58: {  	_ =	shalt  }
0x59: {  	_ =	shalt  }
0x5a: {  	_ =	shalt  }
0x5b: {  	_ =	shalt  }
0x5c: {  	_ =	shalt  }
0x5d: {  	_ =	shalt  }
0x5e: {  	_ =	shalt  }
0x5f: {  	_ =	shalt  }
0x60: {  	_ =	shalt  }
0x61: {  	_ =	shalt  }
0x62: {  	_ =	shalt  }
0x63: {  	_ =	shalt  }
0x64: {  	_ =	shalt  }
0x65: {  	_ =	shalt  }
0x66: {  	_ =	shalt  }
0x67: {  	_ =	shalt  }
0x68: {  	_ =	shalt  }
0x69: {  	_ =	shalt  }
0x6a: {  	_ =	shalt  }
0x6b: {  	_ =	shalt  }
0x6c: {  	_ =	shalt  }
0x6d: {  	_ =	shalt  }
0x6e: {  	_ =	shalt  }
0x6f: {  	_ =	shalt  }
0x70: {  	_ =	shalt  }
0x71: {  	_ =	shalt  }
0x72: {  	_ =	shalt  }
0x73: {  	_ =	shalt  }
0x74: {  	_ =	shalt  }
0x75: {  	_ =	shalt  }
0x76: {  	_ =	shalt  }
0x77: {  	_ =	shalt  }
0x78: {  	_ =	shalt  }
0x79: {  	_ =	shalt  }
0x7a: {  	_ =	shalt  }
0x7b: {  	_ =	shalt  }
0x7c: {  	_ =	shalt  }
0x7d: {  	_ =	shalt  }
0x7e: {  	_ =	shalt  }
0x7f: {  	_ =	shalt  }
0x80: {  	_ =	shalt  }
0x81: {  	_ =	shalt  }
0x82: {  	_ =	shalt  }
0x83: {  	_ =	shalt  }
0x84: {  	_ =	shalt  }
0x85: {  	_ =	shalt  }
0x86: {  	_ =	shalt  }
0x87: {  	_ =	shalt  }
.Lfunc_end0:
.L_simem_size_0:
called_computation_lowered:
.L_overlay_start_0:
0x88: {  	s2 =	sld [smem:$0x3FD9]  }
0x89: {  	s3 =	sld [smem:$0x3FFE];
	_ =	sdelay $0x1  }
0x8a: {  	s1 =	srdreg.scid  }
0x8b: {  	s0 =	sand.u32 $0x1, s1  }
0x8c: {  	s15 =	sshll.u32 s0, $0xA;
	s2 =	sadd.s32 s3, s2  }
0x8d: {  	s2 =	sadd.s32 s2, s15  }
0x8e: {  	[smem:$0x3FC3] =	sst s2  }
0x8f: {  	_ = 	snop  }
0x90: {  	s2 =	sld [smem:$0x3FC9]  }
0x91: {  	s16 =	sld [smem:$0x3FC8]  }
0x92: {  	s4 =	sld [smem:$0x3FD0]  }
0x93: {  	s5 =	sld [smem:$0x3FC7]  }
0x94: {  	s6 =	sld [smem:$0x3FC6]  }
0x95: {  	s8 =	simm.s32 $0xA;
	s9 =	simm.s32 $0x10;
	s7 =	sld [smem:$0x3FC5]  }
0x96: {  	[smem:s9], [sflag:s8] =	dma.local [hbm:s4], $0x1  }
0x97: {  	_ =	swait.eq [sflag:s8], $0x1  }
0x98: {  	[sflag:s8] =	ssyncset.done $0x0  }
0x99: {  	s17 =	sld [smem:$0x10];
	[sflag:s8] =	ssyncadd.s32 $0xFFFFFFFF  }
0x9a: {  	s18 =	sld [smem:$0x11];
	(tm) =	ssettm $0x1  }
0x9b: {  	s19 =	sld [smem:$0x3FFB];
	_ =	sdelay $0x3  }
0x9c: {  	_ =	strace s19  }
0x9d: {  	s9 =	sld [smem:$0x3FFC];
	_ =	sdelay $0x3  }
0x9e: {  	_ =	strace s9  }
0x9f: {  	s9 =	sld [smem:$0x3FFD];
	_ =	sdelay $0x3  }
0xa0: {  	_ =	strace s9  }
0xa1: {  	_ =	strace $0x8FFFFFFF  }
0xa2: {  	s20 =	sld [smem:$0x3FDB];
	_ =	sdelay $0x1  }
0xa3: {  	s10 =	simm.s32 $_scs_section_size  }
0xa4: {  	s11 =	simm.s32 $_size__tile_overlayer_lowered;
	s12 =	simm.s32 $_tile_overlayer_lowered  }
0xa5: {  	s23 =	simm.s32 $0x1BFF;
	s22 =	sshll.u32 s12, $0x1;
	s9 =	sadd.s32 s10, s20  }
0xa6: {  	s13 =	simm.s32 $0x0;
	s21 =	sshll.u32 s11, $0x1;
	s11 =	sadd.s32 s22, s9  }
0xa7: {  	[timem:s13], [sflag:s23] =	dma.local [hbm:s11], s21  }
0xa8: {  	_ =	swait.ge [sflag:s23], s21  }
0xa9: {  	s10 =	ssub.s32 $0x0, s21;
	[sflag:s23] =	ssyncset.done $0x0  }
0xaa: {  	[sflag:s23] =	ssyncadd.s32 s10;
	_ =	sdelay $0x1  }
0xab: {  	s24 =	simm.s32 $0x1B8B  }
0xac: {  	_ =	swait.ge [sflag:s24], $0x1  }
0xad: {  	[sflag:s24] =	ssyncset.done $0x0  }
0xae: {  	s25 =	simm.s32 $0x1B8E;
	[sflag:s24] =	ssyncadd.s32 $0xFFFFFFFF  }
0xaf: {  	s26 =	simm.s32 $execute0_lowered;
	[smem:$0x3FD2] =	sst s25  }
0xb0: {  	s10 =	sshll.u32 s26, $0x1;
	_ =	strace $0x80000046;
	[dreg:$0x1] =	wrdreg $0xFFFFFFFF  }
0xb1: {  	s28 =	simm.s32 $_size_execute0_lowered;
	s9 =	sadd.s32 s9, s10;
	[dreg:$0x0] =	wrdreg $0x0  }
0xb2: {  	s10 =	sshll.u32 s28, $0x1;
	[dreg:$0x2] =	wrdreg s9  }
0xb3: {  	[dreg:$0x3] =	wrdreg s10  }
0xb4: {  	[dreg:$0x4] =	wrdreg $0xC0  }
0xb5: {  	_ =	task [dreg:s13], $0x5FFFF  }
0xb6: {  	[dreg:$0x1] =	wrdreg $0xFFFFFFFF  }
0xb7: {  	[dreg:$0x0] =	wrdreg $0x60  }
0xb8: {  	[dreg:$0x2] =	wrdreg s2  }
0xb9: {  	[dreg:$0x3] =	wrdreg s16  }
0xba: {  	[dreg:$0x4] =	wrdreg s5  }
0xbb: {  	[dreg:$0x5] =	wrdreg s6  }
0xbc: {  	[dreg:$0x6] =	wrdreg s7  }
0xbd: {  	[dreg:$0x7] =	wrdreg s17  }
0xbe: {  	[dreg:$0x8] =	wrdreg s18  }
0xbf: {  	[dreg:$0x9] =	wrdreg $0x9  }
0xc0: {  	_ =	task.clear_ibuf [dreg:s13], $0xAFFFF;
	_ =	strace $0x90000046  }
0xc1: {  	s29 =	simm.s32 $0x9;
	_ =	strace $0x80000048  }
0xc2: {  	_ =	swait.ge [sflag:s29], $0x1  }
0xc3: {  	[sflag:s29] =	ssyncadd.s32 $0xFFFFFFFF  }
0xc4: {  	_ =	strace $0x90000048  }
0xc5: {  	_ =	sfence  }
0xc6: {  	s30 =	sld [smem:$0x0];
	_ =	sdelay $0x2  }
0xc7: {  	s31 =	sshll.u32 s1, $0xD;
	s1 =	sshrl.u32 s1, $0x2  }
0xc8: {  	s3 =	sand.u32 $0x4000, s31;
	s1 =	sadd.s32 s1, s30  }
0xc9: {  	s0 =	sor.u32 s3, s0;
	s1 =	sshll.u32 s1, $0x11  }
0xca: {  	s0 =	sor.u32 s1, s0  }
0xcb: {  	s0 =	sadd.s32 $0x8F2B, s0  }
0xcc: {  	[sflag:s0] =	ssyncadd.remote.s32 $0x1  }
0xcd: {  	_ =	sfence.sel $0xFFFF  }
0xce: {  	[dreg:$0x0] =	wrdreg $0xFFFFFFFF;
	(pc) =	sbr.abs _section_cstart, $3  }
0xcf: {  	[dreg:$0x1] =	wrdreg $0xFFFFFFFF  }
0xd0: {  	_ =	task.clear_ibuf [dreg:s13], $0x2FFFF;
	_ =	strace $0x9FFFFFFF  }
0xd1: {  	(tm) =	ssettm $0x7FFFFFFF  }
tec
execute0_lowered:
.L_overlay_start_1:
0x0: {  	(tag) =	ssettag $0x1  }
0x1: {  	s5 =	rddreg [dreg:$0x0]  }
0x2: {  	s6 =	rddreg [dreg:$0x1]  }
0x3: {  	s7 =	rddreg [dreg:$0x2]  }
0x4: {  	s1 =	rddreg [dreg:$0x3]  }
0x5: {  	s2 =	rddreg [dreg:$0x4]  }
0x6: {  	s8 =	rddreg [dreg:$0x5]  }
0x7: {  	s9 =	rddreg [dreg:$0x6]  }
0x8: {  	s0 =	rddreg [dreg:$0x7];
	s10 =	srdreg.scid  }
0x9: {  	s4 =	simm.s32 $0x0;
	s3 =	stileid.u32;
	s14 =	simm.s32 $0x8280  }
0xa: {  	s15 =	simm.s32 $0x1;
	s16 =	simm.s32 $0x8300;
	s17 =	simm.s32 $0x8400  }
0xb: {  	s18 =	simm.s32 $0x0;
	s10 =	sand.u32 $0x1, s10;
	[smem:$0x7FF] =	sst s4  }
0xc: {  	v12 =	vlaneseq.u32;
	s11 =	sshll.u32 s3, $0x9;
	s12 =	sshll.u32 s10, $0x8;
	s10 =	ssub.s32 $0x2, s10  }
0xd: {  	v2 =	vimm.f32 $1.000000000e+00;
	v0 =	vmul.u32 $0x2, v12;
	_ =	strace $0x80000047;
	s11 =	sor.u32 s12, s11;
	s31 =	sshrl.u32 s10, $0x1  }
0xe: {  	v2 =	vand.u32 $0x7FFFFFFF, v2;
	v8 =	vor.u32 $0x80000000, v12;
	v9 =	vor.u32 $0x80000010, v12;
	s12 =	simm.s32 $0x8100;
	s13 =	sshll.u32 s11, $0x4;
	s11 =	sshrl.u32 s11, $0x3  }
0xf: {  	v11 =	vor.u32 $0x80000020, v12;
	v12 =	vor.u32 $0x80000030, v12;
	v1 =	vor.u32 $0x1, v0;
	s10 =	ssub.s32 s10, s31;
	s5 =	sadd.s32 s5, s13;
	s6 =	sadd.s32 s6, s11  }
0x10: {  	v3 =	vor.u32 $0x21, v0;
	v4 =	vor.u32 $0x40, v0;
	v5 =	vor.u32 $0x41, v0;
	s7 =	sadd.s32 s7, s11;
	s8 =	sadd.s32 s8, s11;
	s9 =	sadd.s32 s9, s11  }
0x11: {  	v6 =	vor.u32 $0x60, v0;
	v7 =	vor.u32 $0x61, v0;
	v10 =	vor.u32 $0x20, v0;
	s10 =	smax.u32 s10, $0x1;
	s11 =	simm.s32 $0x8000;
	s13 =	simm.s32 $0x8200  }
.LBB2_1:
0x12: {  	[tilespmem:s4], [sflag:$0x1] =	stream.linear.gather [hbm4b:s5+s4], $0x8000, $0x38;
	[tilespmem:$0x8500] =	vst v63  }
0x13: {  	_ = 	snop  }
0x14: {  	[tilespmem:s11], [sflag:$0x1] =	stream.linear.gather [hbm4b:s6+s4], $0x100, $0x38;
	[tilespmem:$0x8500] =	vst v63  }
0x15: {  	_ = 	snop  }
0x16: {  	[tilespmem:s12], [sflag:$0x1] =	stream.linear.gather [hbm4b:s7+s4], $0x100, $0x38;
	[tilespmem:$0x8500] =	vst v63  }
0x17: {  	_ = 	snop  }
0x18: {  	[tilespmem:s13], [sflag:$0x1] =	stream.linear.gather [hbm4b:s1+s4], $0x80, $0x38;
	[tilespmem:$0x8500] =	vst v63  }
0x19: {  	_ = 	snop  }
0x1a: {  	[tilespmem:s14], [sflag:$0x1] =	stream.linear.gather [hbm4b:s2+s4], $0x80, $0x38;
	[tilespmem:$0x8500] =	vst v63  }
0x1b: {  	_ =	swait.ge [sflag:s15], $0x8000  }
0x1c: {  	[sflag:s15] =	ssyncset.done $0x0  }
0x1d: {  	[sflag:s15] =	ssyncadd.s32 $0xFFFF8000  }
0x1e: {  	_ =	swait.ge [sflag:s15], $0x100  }
0x1f: {  	[sflag:s15] =	ssyncset.done $0x0  }
0x20: {  	[sflag:s15] =	ssyncadd.s32 $0xFFFFFF00  }
0x21: {  	_ =	swait.ge [sflag:s15], $0x100  }
0x22: {  	[sflag:s15] =	ssyncset.done $0x0  }
0x23: {  	[sflag:s15] =	ssyncadd.s32 $0xFFFFFF00  }
0x24: {  	_ =	swait.ge [sflag:s15], $0x80  }
0x25: {  	[sflag:s15] =	ssyncset.done $0x0  }
0x26: {  	[sflag:s15] =	ssyncadd.s32 $0xFFFFFF80  }
0x27: {  	_ =	swait.ge [sflag:s15], $0x80  }
0x28: {  	[sflag:s15] =	ssyncset.done $0x0  }
0x29: {  	[sflag:s15] =	ssyncadd.s32 $0xFFFFFF80  }
0x2a: {  	v13 =	vld [tilespmem:$0x8200]  }
0x2b: {  	v14 =	vld [tilespmem:$0x8210]  }
0x2c: {  	v15 =	vld [tilespmem:$0x8220]  }
0x2d: {  	s19 =	simm.s32 $0x0;
	v16 =	vld [tilespmem:$0x8230]  }
.LBB2_2:
0x2e: {  	v17 =	vmov s19  }
0x2f: {  	v18 =	vshll.u32 v17, $0x7  }
0x30: {  	v19 =	vor.u32 v0, v18  }
0x31: {  	v20 =	vor.u32 v1, v18  }
0x32: {  	v21 =	vor.u32 v10, v18  }
0x33: {  	v22 =	vor.u32 v3, v18;
	v42 =	vld.idx.msk [tilespmem:v17+s11+$0x0], $0xffff  }
0x34: {  	v24 =	vor.u32 v4, v18  }
0x35: {  	v26 =	vor.u32 v5, v18;
	v19 =	vld.idx.msk [tilespmem:v19+s4+$0x0], $0xffff  }
0x36: {  	v28 =	vor.u32 v6, v18;
	v20 =	vld.idx.msk [tilespmem:v20+s4+$0x0], $0xffff  }
0x37: {  	v21 =	vld.idx.msk [tilespmem:v21+s4+$0x0], $0xffff  }
0x38: {  	v22 =	vld.idx.msk [tilespmem:v22+s4+$0x0], $0xffff;
	v45 =	vsub.f32 v42, v13  }
0x39: {  	v18 =	vor.u32 v7, v18;
	v24 =	vld.idx.msk [tilespmem:v24+s4+$0x0], $0xffff;
	v53 =	vsub.f32 v42, v14;
	v62 =	vsub.f32 v42, v15  }
0x3a: {  	v26 =	vld.idx.msk [tilespmem:v26+s4+$0x0], $0xffff;
	v23 =	vand.u32 $0x80000000, v19;
	vm0 =	vlt.f32 v19, $0.0e+00;
	vm1 =	vgt.f32 v19, $0.0e+00  }
0x3b: {  	v28 =	vld.idx.msk [tilespmem:v28+s4+$0x0], $0xffff;
	v25 =	vand.u32 $0x80000000, v20;
	vm11 =	vlt.f32 v20, $0.0e+00;
	vm2 =	vgt.f32 v20, $0.0e+00  }
0x3c: {  	v33 =	vand.u32 $0x80000000, v21;
	vm13 =	vlt.f32 v21, $0.0e+00;
	vm14 =	vgt.f32 v21, $0.0e+00  }
0x3d: {  	v29 =	vand.u32 $0x80000000, v22;
	vm15 =	vlt.f32 v22, $0.0e+00;
	vm3 =	vgt.f32 v22, $0.0e+00  }
0x3e: {  	v35 =	vand.u32 $0x80000000, v24;
	vm6 =	vlt.f32 v24, $0.0e+00;
	vm7 =	vgt.f32 v24, $0.0e+00  }
0x3f: {  	v30 =	vand.u32 $0x80000000, v26;
	vm8 =	vlt.f32 v26, $0.0e+00;
	vm9 =	vgt.f32 v26, $0.0e+00  }
0x40: {  	v38 =	vand.u32 $0x80000000, v28;
	v55 =	vmul.f32 $5.000000000e-01, v53;
	v43 =	vmul.f32 $5.000000000e-01, v62  }
0x41: {  	v23 =	vor.u32 v23, v2;
	vm0 =	vmor vm1, vm0;
	v31 =	vor.u32 v25, v2  }
0x42: {  	v18 =	vld.idx.msk [tilespmem:v18+s4+$0x0], $0xffff;
	vm12 =	vmor vm2, vm11;
	v25 =	vor.u32 v33, v2;
	v29 =	vor.u32 v29, v2  }
0x43: {  	vm5 =	vmor vm3, vm15;
	v30 =	vor.u32 v30, v2;
	vm10 =	vmor vm9, vm8  }
0x44: {  	vm11 =	vlt.f32 v28, $0.0e+00;
	v19 =	vsel vm0, v23, v19;
	v20 =	vsel vm12, v31, v20  }
0x45: {  	vm0 =	vmor vm14, vm13;
	v22 =	vsel vm5, v29, v22;
	v29 =	vor.u32 v35, v2  }
0x46: {  	v26 =	vsel vm10, v30, v26;
	v30 =	vor.u32 v38, v2;
	vm12 =	vgt.f32 v28, $0.0e+00  }
0x47: {  	v31 =	vand.u32 $0x80000000, v18;
	vm13 =	vlt.f32 v18, $0.0e+00;
	vm14 =	vgt.f32 v18, $0.0e+00  }
0x48: {  	v56 =	vand.u32 $0x7FFFFFFF, v55;
	v57 =	vmul.f32 v55, v55;
	v32 =	vmul.f32 v19, v19  }
0x49: {  	v27 =	vmul.f32 v20, v20;
	v21 =	vsel vm0, v25, v21;
	v34 =	vmul.f32 v22, v22  }
0x4a: {  	vm0 =	vmor vm7, vm6;
	v37 =	vmul.f32 v26, v26;
	v31 =	vor.u32 v31, v2  }
0x4b: {  	vm15 =	vmor vm14, vm13;
	v19 =	vmax.f32 v19, $0.0e+00;
	v20 =	vmax.f32 v20, $0.0e+00  }
0x4c: {  	v22 =	vmax.f32 v22, $0.0e+00;
	v26 =	vmax.f32 v26, $0.0e+00;
	v58 =	vsub.f32 $2.000000000e+00, v56  }
0x4d: {  	vm5 =	vlt.f32 v56, $1.000000000e+00;
	v25 =	vmul.f32 v21, v21;
	v24 =	vsel vm0, v29, v24  }
0x4e: {  	vm0 =	vmor vm12, vm11;
	v18 =	vsel vm15, v31, v18;
	v20 =	vadd.f32 v20, v19  }
0x4f: {  	v21 =	vmax.f32 v21, $0.0e+00;
	v59 =	vsub.f32 $6.666666860e-01, v57;
	v23 =	vadd.f32 v27, v32  }
0x50: {  	v36 =	vmul.f32 v24, v24;
	v39 =	vsel vm0, v30, v28;
	v25 =	vadd.f32 v34, v25  }
0x51: {  	v40 =	vmul.f32 v18, v18;
	v21 =	vadd.f32 v22, v21;
	v18 =	vmax.f32 v18, $0.0e+00  }
0x52: {  	v28 =	vmul.f32 v39, v39;
	v23 =	vadd.f32 v25, v23;
	v25 =	vmax.f32 v39, $0.0e+00  }
0x53: {  	v27 =	vadd.f32 v37, v36;
	v25 =	vadd.f32 v18, v25;
	v18 =	vmul.f32 v56, v57  }
0x54: {  	s20 =	sadd.s32 $0x1, s19;
	v49 =	vmax.f32 v24, $0.0e+00;
	v60 =	vmul.f32 v58, v58;
	v41 =	vadd.f32 v40, v28  }
0x55: {  	v23 =	vadd.f32 v27, v23;
	v61 =	vmul.f32 $5.000000000e-01, v18;
	v18 =	vmov s20  }
0x56: {  	v22 =	vadd.f32 v26, v49;
	v26 =	vmul.f32 v60, v58;
	v63 =	vshll.u32 v18, $0x7  }
0x57: {  	v20 =	vadd.f32 v20, v20;
	v23 =	vadd.f32 v41, v23;
	v35 =	vor.u32 v10, v63  }
0x58: {  	v21 =	vadd.f32 v21, v21;
	v26 =	vmul.f32 $1.666666720e-01, v26;
	v39 =	vor.u32 v5, v63  }
0x59: {  	v22 =	vadd.f32 v22, v22;
	v41 =	vor.u32 v6, v63;
	(xrf2) =	vadd.scan.msk.f32 $0xffff, v23;
	v23 =	vmul.f32 $5.000000000e-01, v45  }
0x5a: {  	v27 =	vmul.f32 v43, v43;
	v26 =	vmax.f32 v26, $0.0e+00;
	v29 =	vor.u32 v7, v63  }
0x5b: {  	v25 =	vadd.f32 v25, v25;
	v46 =	vand.u32 $0x7FFFFFFF, v23;
	v19 =	vmul.f32 v23, v23  }
0x5c: {  	v44 =	vor.u32 v0, v63;
	v49 =	vor.u32 v3, v63;
	v47 =	vsub.f32 $2.000000000e+00, v46;
	v35 =	vld.idx.msk [tilespmem:v35+s4+$0x0], $0xffff  }
0x5d: {  	vm4 =	vlt.f32 v46, $1.000000000e+00;
	v51 =	vmul.f32 v46, v19;
	v46 =	vand.u32 $0x7FFFFFFF, v43;
	v39 =	vld.idx.msk [tilespmem:v39+s4+$0x0], $0xffff  }
0x5e: {  	v45 =	vsub.f32 v42, v16;
	v41 =	vld.idx.msk [tilespmem:v41+s4+$0x0], $0xffff;
	v48 =	vmul.f32 v47, v47;
	v32 =	vsub.f32 $2.000000000e+00, v46  }
0x5f: {  	v52 =	vsub.f32 $6.666666860e-01, v19;
	v29 =	vld.idx.msk [tilespmem:v29+s4+$0x0], $0xffff;
	vm0 =	vlt.f32 v46, $1.000000000e+00;
	v30 =	vmul.f32 $5.000000000e-01, v51  }
0x60: {  	v23 =	vmul.f32 v48, v47;
	v47 =	vor.u32 v1, v63;
	v33 =	vmul.f32 v32, v32  }
0x61: {  	v48 =	vmul.f32 v46, v27;
	v27 =	vsub.f32 $6.666666860e-01, v27;
	v54 =	vadd.f32 v30, v52  }
0x62: {  	v23 =	vmul.f32 $1.666666720e-01, v23;
	v32 =	vmul.f32 v33, v32;
	v57 =	vand.u32 $0x80000000, v35  }
0x63: {  	v30 =	vld.idx.msk [tilespmem:v44+s4+$0x0], $0xffff;
	vm11 =	vlt.f32 v35, $0.0e+00;
	vm12 =	vgt.f32 v35, $0.0e+00;
	v43 =	vand.u32 $0x80000000, v39;
	v50, _, _ =	vpop (xrf2)  }
0x64: {  	v33 =	vld.idx.msk [tilespmem:v49+s4+$0x0], $0xffff;
	v62 =	vand.u32 $0x80000000, v41;
	v44 =	vand.u32 $0x80000000, v29;
	v24 =	vadd.f32 $2.000000000e+00, v50  }
0x65: {  	v43 =	vor.u32 v43, v2;
	v44 =	vor.u32 v44, v2;
	v23 =	vmax.f32 v23, $0.0e+00  }
0x66: {  	v50 =	vmul.f32 $1.666666720e-01, v32;
	v23 =	vsel vm4, v54, v23;
	v19 =	vbroadcast v24, $0xF  }
0x67: {  	v54 =	vor.u32 v4, v63;
	v23 =	vmul.f32 $1.000000000e+01, v23;
	v24 =	vmul.f32 $5.000000000e-01, v45  }
0x68: {  	v53 =	vand.u32 $0x80000000, v30;
	vm6 =	vlt.f32 v30, $0.0e+00;
	vm7 =	vgt.f32 v30, $0.0e+00  }
0x69: {  	vm1 =	vmor vm7, vm6;
	v42 =	vand.u32 $0x80000000, v33;
	vm13 =	vlt.f32 v33, $0.0e+00  }
0x6a: {  	v31 =	vld.idx.msk [tilespmem:v47+s4+$0x0], $0xffff;
	vm4 =	vgt.f32 v33, $0.0e+00;
	v20 =	vsub.f32 v20, v19;
	v21 =	vsub.f32 v21, v19  }
0x6b: {  	v34 =	vand.u32 $0x7FFFFFFF, v24;
	v24 =	vmul.f32 v24, v24;
	v42 =	vor.u32 v42, v2  }
0x6c: {  	vm14 =	vmor vm4, vm13;
	vm13 =	vgt.f32 v41, $0.0e+00;
	v22 =	vsub.f32 v22, v19  }
0x6d: {  	v19 =	vsub.f32 v25, v19;
	v36 =	vsub.f32 $2.000000000e+00, v34;
	v33 =	vsel vm14, v42, v33  }
0x6e: {  	vm14 =	vlt.f32 v29, $0.0e+00;
	vm7 =	vlt.f32 v34, $1.000000000e+00;
	v20 =	vadd.f32 v20, v23  }
0x6f: {  	v23 =	vadd.f32 v61, v59;
	v51 =	vmul.f32 v34, v24;
	v38 =	vand.u32 $0x80000000, v31  }
0x70: {  	vm8 =	vlt.f32 v31, $0.0e+00;
	vm9 =	vgt.f32 v31, $0.0e+00;
	v58 =	vmul.f32 v33, v33  }
0x71: {  	v24 =	vsub.f32 $6.666666860e-01, v24;
	v37 =	vmul.f32 v36, v36;
	v55 =	vor.u32 v38, v2  }
0x72: {  	vm10 =	vmor vm9, vm8;
	v38 =	vor.u32 v57, v2;
	vm9 =	vlt.f32 v39, $0.0e+00  }
0x73: {  	v23 =	vsel vm5, v23, v26;
	v26 =	vmul.f32 $5.000000000e-01, v48;
	v31 =	vsel vm10, v55, v31  }
0x74: {  	vm10 =	vgt.f32 v39, $0.0e+00;
	v28 =	vmul.f32 $5.000000000e-01, v51;
	v23 =	vmul.f32 $1.000000000e+01, v23  }
0x75: {  	v52 =	vmul.f32 v37, v36;
	v36 =	vor.u32 v53, v2;
	v40 =	vmul.f32 v31, v31  }
0x76: {  	v37 =	vld.idx.msk [tilespmem:v54+s4+$0x0], $0xffff;
	v26 =	vadd.f32 v26, v27;
	v30 =	vsel vm1, v36, v30;
	vm1 =	vmor vm12, vm11  }
0x77: {  	vm11 =	vmor vm10, vm9;
	vm12 =	vlt.f32 v41, $0.0e+00;
	v27 =	vmax.f32 v50, $0.0e+00  }
0x78: {  	v24 =	vadd.f32 v28, v24;
	v56 =	vmul.f32 v30, v30;
	v35 =	vsel vm1, v38, v35  }
0x79: {  	v39 =	vsel vm11, v43, v39;
	v43 =	vor.u32 v62, v2;
	v32 =	vmul.f32 $1.666666720e-01, v52  }
0x7a: {  	v21 =	vadd.f32 v21, v23;
	v38 =	vmul.f32 v35, v35;
	v61 =	vmul.f32 v39, v39  }
0x7b: {  	v59 =	vand.u32 $0x80000000, v37;
	vm15 =	vlt.f32 v37, $0.0e+00;
	vm8 =	vgt.f32 v37, $0.0e+00  }
0x7c: {  	v36 =	vadd.f32 v40, v56;
	v42 =	vor.u32 v59, v2;
	vm1 =	vmor vm8, vm15  }
0x7d: {  	v38 =	vadd.f32 v58, v38;
	vm15 =	vgt.f32 v29, $0.0e+00;
	v37 =	vsel vm1, v42, v37  }
0x7e: {  	vm1 =	vmor vm13, vm12;
	vm6 =	vmor vm15, vm14;
	v60 =	vmul.f32 v37, v37  }
0x7f: {  	v36 =	vadd.f32 v38, v36;
	v38 =	vsel vm1, v43, v41;
	v29 =	vsel vm6, v44, v29  }
0x80: {  	v41 =	vmul.f32 v38, v38;
	v63 =	vmul.f32 v29, v29;
	v40 =	vadd.f32 v61, v60  }
0x81: {  	v51 =	vmax.f32 v30, $0.0e+00;
	v52 =	vmax.f32 v31, $0.0e+00;
	v26 =	vsel vm0, v26, v27;
	v43 =	vld.idx.msk [tilespmem:v18+s11+$0x0], $0xffff  }
0x82: {  	v45 =	vmax.f32 v32, $0.0e+00;
	v44 =	vadd.f32 v63, v41;
	v36 =	vadd.f32 v40, v36  }
0x83: {  	v55 =	vmax.f32 v35, $0.0e+00;
	v26 =	vmul.f32 $1.000000000e+01, v26;
	v24 =	vsel vm7, v24, v45  }
0x84: {  	v56 =	vmax.f32 v33, $0.0e+00;
	v47 =	vmul.f32 $1.000000000e+01, v24;
	v46 =	vadd.f32 v44, v36  }
0x85: {  	v49 =	vmax.f32 v20, v21;
	v25 =	vadd.f32 v56, v55;
	v22 =	vadd.f32 v22, v26  }
0x86: {  	vm8 =	vgt.f32 v21, v20;
	v19 =	vadd.f32 v19, v47;
	v48 =	vsub.f32 v43, v13;
	(xrf2) =	vadd.scan.msk.f32 $0xffff, v46  }
0x87: {  	v25 =	vadd.f32 v25, v25;
	v50 =	vmax.f32 v49, v22;
	vm9 =	vgt.f32 v22, v49  }
0x88: {  	v59 =	vmax.f32 v37, $0.0e+00;
	v23 =	vmax.f32 v50, v19;
	v24 =	vmul.f32 $5.000000000e-01, v48  }
0x89: {  	vm10 =	vgt.f32 v19, v50;
	v19 =	vadd.f32 v52, v51;
	v60 =	vmax.f32 v39, $0.0e+00;
	(xrf0) =	vmax.scan.msk.f32 $0xffff, v23  }
0x8a: {  	v27 =	vadd.f32 v60, v59;
	v58 =	vsub.f32 v43, v14;
	v53 =	vand.u32 $0x7FFFFFFF, v24  }
0x8b: {  	v35 =	vmax.f32 v38, $0.0e+00;
	v19 =	vadd.f32 v19, v19;
	v54 =	vsub.f32 $2.000000000e+00, v53  }
0x8c: {  	v40 =	vmax.f32 v29, $0.0e+00;
	v63 =	vmul.f32 $5.000000000e-01, v58;
	v24 =	vmul.f32 v24, v24  }
0x8d: {  	v27 =	vadd.f32 v27, v27;
	v46 =	vsub.f32 v43, v16;
	v57 =	vmul.f32 v54, v54  }
0x8e: {  	v36 =	vand.u32 $0x7FFFFFFF, v63;
	v38 =	vmul.f32 v63, v63;
	v61 =	vmul.f32 v53, v24  }
0x8f: {  	v41, _, _ =	vpop (xrf0);
	v37 =	vsub.f32 $2.000000000e+00, v36;
	vm11 =	vlt.f32 v53, $1.000000000e+00;
	v20 =	vmul.f32 v57, v54  }
0x90: {  	v29 =	vbroadcast v41, $0xF;
	v24 =	vsub.f32 $6.666666860e-01, v24;
	v34 =	vmul.f32 $5.000000000e-01, v61;
	v62, _, _ =	vpop (xrf2)  }
0x91: {  	vm12 =	vlt.f32 v36, $1.000000000e+00;
	v20 =	vmul.f32 $1.666666720e-01, v20;
	v33 =	vadd.f32 $2.000000000e+00, v62  }
0x92: {  	v30 =	vmul.f32 $5.000000000e-01, v46;
	v42 =	vmul.f32 v36, v38;
	v24 =	vadd.f32 v34, v24  }
0x93: {  	v39 =	vmul.f32 v37, v37;
	v20 =	vmax.f32 v20, $0.0e+00;
	v26 =	vbroadcast v33, $0xF  }
0x94: {  	v51 =	vand.u32 $0x7FFFFFFF, v30;
	v30 =	vmul.f32 v30, v30;
	v20 =	vsel vm11, v24, v20  }
0x95: {  	v44 =	vsub.f32 $6.666666860e-01, v38;
	v20 =	vmul.f32 $1.000000000e+01, v20;
	v19 =	vsub.f32 v19, v26  }
0x96: {  	v53 =	vsub.f32 $2.000000000e+00, v51;
	v28 =	vmul.f32 v39, v37;
	v56 =	vmul.f32 v51, v30  }
0x97: {  	v45 =	vmul.f32 $5.000000000e-01, v42;
	v21 =	vadd.f32 v19, v20;
	v19 =	vsub.f32 v43, v15  }
0x98: {  	v59 =	vsub.f32 $6.666666860e-01, v30;
	v28 =	vmul.f32 $1.666666720e-01, v28;
	v60 =	vmul.f32 $5.000000000e-01, v56  }
0x99: {  	vm14 =	vlt.f32 v51, $1.000000000e+00;
	v55 =	vmul.f32 v53, v53;
	v19 =	vmul.f32 $5.000000000e-01, v19  }
0x9a: {  	v47 =	vmax.f32 v28, $0.0e+00;
	v28 =	vadd.f32 v60, v59;
	v24 =	vadd.f32 v40, v35  }
0x9b: {  	v40 =	vsel vm8, v9, v8;
	v48 =	vand.u32 $0x7FFFFFFF, v19;
	v19 =	vmul.f32 v19, v19  }
0x9c: {  	s28 =	sadd.s32 $0x2, s19;
	v33 =	vmul.f32 v55, v53;
	v24 =	vadd.f32 v24, v24;
	v49 =	vsub.f32 $2.000000000e+00, v48  }
0x9d: {  	v50 =	vmul.f32 v48, v19;
	v54 =	vsub.f32 $6.666666860e-01, v19;
	v19 =	vmov s28  }
0x9e: {  	v25 =	vsub.f32 v25, v26;
	v33 =	vmul.f32 $1.666666720e-01, v33;
	v57 =	vshll.u32 v19, $0x7  }
0x9f: {  	v27 =	vsub.f32 v27, v26;
	v52 =	vmul.f32 v49, v49;
	v58 =	vor.u32 v0, v57  }
0xa0: {  	v38 =	vsub.f32 v24, v26;
	v26 =	vsel vm9, v11, v40;
	v61 =	vor.u32 v1, v57  }
0xa1: {  	v20 =	vadd.f32 v45, v44;
	v42 =	vor.u32 v3, v57;
	v22 =	vmul.f32 v52, v49  }
0xa2: {  	v62 =	vmax.f32 v33, $0.0e+00;
	v31 =	vmul.f32 $5.000000000e-01, v50;
	v45 =	vor.u32 v4, v57  }
0xa3: {  	v20 =	vsel vm12, v20, v47;
	v47 =	vor.u32 v5, v57;
	v22 =	vmul.f32 $1.666666720e-01, v22  }
0xa4: {  	v28 =	vsel vm14, v28, v62;
	v36 =	vor.u32 v7, v57;
	v31 =	vadd.f32 v31, v54;
	v63 =	vld.idx.msk [tilespmem:v58+s4+$0x0], $0xffff  }
0xa5: {  	vm13 =	vlt.f32 v48, $1.000000000e+00;
	v37 =	vor.u32 v10, v57;
	v22 =	vmax.f32 v22, $0.0e+00;
	v41 =	vld.idx.msk [tilespmem:v61+s4+$0x0], $0xffff  }
0xa6: {  	v39 =	vmul.f32 $1.000000000e+01, v28;
	v20 =	vmul.f32 $1.000000000e+01, v20;
	v28 =	vld.idx.msk [tilespmem:v42+s4+$0x0], $0xffff;
	v22 =	vsel vm13, v31, v22  }
0xa7: {  	vm15 =	veq.f32 v23, v29;
	v43 =	vsel vm10, v12, v26;
	v33 =	vld.idx.msk [tilespmem:v45+s4+$0x0], $0xffff;
	v22 =	vmul.f32 $1.000000000e+01, v22  }
0xa8: {  	v24 =	vadd.f32 v38, v39;
	v25 =	vadd.f32 v25, v20;
	v52 =	vor.u32 v6, v57;
	v35 =	vld.idx.msk [tilespmem:v47+s4+$0x0], $0xffff  }
0xa9: {  	v20 =	vnsel vm15, $0x80000040, v43;
	v36 =	vld.idx.msk [tilespmem:v36+s4+$0x0], $0xffff;
	v22 =	vadd.f32 v27, v22;
	v44 =	vand.u32 $0x80000000, v63  }
0xaa: {  	v31 =	vld.idx.msk [tilespmem:v37+s4+$0x0], $0xffff;
	vm4 =	vlt.f32 v63, $0.0e+00;
	vm5 =	vgt.f32 v63, $0.0e+00;
	v46 =	vand.u32 $0x80000000, v41  }
0xab: {  	vm6 =	vlt.f32 v41, $0.0e+00;
	vm7 =	vgt.f32 v41, $0.0e+00;
	v53 =	vand.u32 $0x80000000, v28  }
0xac: {  	vm11 =	vlt.f32 v28, $0.0e+00;
	vm12 =	vgt.f32 v28, $0.0e+00;
	v55 =	vand.u32 $0x80000000, v33  }
0xad: {  	v38 =	vld.idx.msk [tilespmem:v52+s4+$0x0], $0xffff;
	vm14 =	vlt.f32 v33, $0.0e+00;
	vm15 =	vgt.f32 v33, $0.0e+00;
	v56 =	vand.u32 $0x80000000, v35  }
0xae: {  	v60 =	vand.u32 $0x80000000, v36;
	v29 =	vor.u32 v44, v2;
	vm0 =	vmor vm5, vm4  }
0xaf: {  	v48 =	vor.u32 v46, v2;
	vm8 =	vmor vm7, vm6;
	v50 =	vand.u32 $0x80000000, v31  }
0xb0: {  	vm9 =	vlt.f32 v31, $0.0e+00;
	vm10 =	vgt.f32 v31, $0.0e+00;
	v39 =	vor.u32 v53, v2  }
0xb1: {  	vm13 =	vmor vm12, vm11;
	vm6 =	vlt.f32 v35, $0.0e+00;
	vm7 =	vgt.f32 v35, $0.0e+00  }
0xb2: {  	v40 =	vor.u32 v56, v2;
	v59 =	vand.u32 $0x80000000, v38;
	vm11 =	vlt.f32 v36, $0.0e+00  }
0xb3: {  	vm12 =	vgt.f32 v36, $0.0e+00;
	v29 =	vsel vm0, v29, v63;
	v27 =	vsel vm8, v48, v41  }
0xb4: {  	v34 =	vor.u32 v50, v2;
	vm0 =	vmor vm10, vm9;
	v28 =	vsel vm13, v39, v28  }
0xb5: {  	v39 =	vor.u32 v55, v2;
	vm8 =	vmor vm7, vm6;
	vm9 =	vlt.f32 v38, $0.0e+00  }
0xb6: {  	vm10 =	vgt.f32 v38, $0.0e+00;
	v41 =	vor.u32 v60, v2;
	vm13 =	vmor vm12, vm11  }
0xb7: {  	v49 =	vmul.f32 v29, v29;
	v51 =	vmul.f32 v27, v27;
	v31 =	vsel vm0, v34, v31  }
0xb8: {  	v54 =	vmul.f32 v28, v28;
	vm0 =	vmor vm15, vm14;
	v35 =	vsel vm8, v40, v35  }
0xb9: {  	v40 =	vor.u32 v59, v2;
	v36 =	vsel vm13, v41, v36;
	v34 =	vmul.f32 v31, v31  }
0xba: {  	v33 =	vsel vm0, v39, v33;
	v58 =	vmul.f32 v35, v35;
	vm0 =	vmor vm10, vm9  }
0xbb: {  	v30 =	vadd.f32 v51, v49;
	v57 =	vmul.f32 v33, v33;
	v34 =	vadd.f32 v54, v34  }
0xbc: {  	v32 =	vmax.f32 v21, v25;
	v42 =	vmul.f32 v36, v36;
	v61 =	vsel vm0, v40, v38  }
0xbd: {  	v63 =	vmul.f32 v61, v61;
	v62 =	vadd.f32 v58, v57;
	v30 =	vadd.f32 v34, v30  }
0xbe: {  	v23 =	vmax.f32 v32, v22;
	v39 =	vld.idx.msk [tilespmem:v19+s11+$0x0], $0xffff  }
0xbf: {  	(xrf0) =	vmin.scan.msk.u32 $0xffff, v20;
	v26 =	vmax.f32 v23, v24;
	v43 =	vadd.f32 v42, v63;
	v20 =	vadd.f32 v62, v30  }
0xc0: {  	vm4 =	vgt.f32 v24, v23;
	vm14 =	vgt.f32 v25, v21;
	vm15 =	vgt.f32 v22, v32  }
0xc1: {  	v48 =	vmax.f32 v29, $0.0e+00;
	v52 =	vmax.f32 v28, $0.0e+00;
	v30 =	vadd.f32 v43, v20  }
0xc2: {  	(xrf0) =	vmax.scan.msk.f32 $0xffff, v26;
	v46 =	vsel vm14, v9, v8;
	v50 =	vmax.f32 v31, $0.0e+00;
	v41 =	vmax.f32 v36, $0.0e+00  }
0xc3: {  	v22 =	vsel vm15, v11, v46;
	v53 =	vmax.f32 v33, $0.0e+00;
	v45 =	vsub.f32 v39, v13;
	(xrf2) =	vadd.scan.msk.f32 $0xffff, v30  }
0xc4: {  	v24 =	vadd.f32 v52, v50;
	v54 =	vmax.f32 v35, $0.0e+00;
	v59 =	vmax.f32 v61, $0.0e+00  }
0xc5: {  	v57 =	vadd.f32 v54, v53;
	v56 =	vsub.f32 v39, v14;
	v47 =	vmul.f32 $5.000000000e-01, v45  }
0xc6: {  	v49 =	vmax.f32 v27, $0.0e+00;
	v29 =	vadd.f32 v41, v59;
	v24 =	vadd.f32 v24, v24  }
0xc7: {  	v27 =	vadd.f32 v57, v57;
	v61 =	vmul.f32 $5.000000000e-01, v56;
	v25 =	vand.u32 $0x7FFFFFFF, v47  }
0xc8: {  	v29 =	vadd.f32 v29, v29;
	v23 =	vmul.f32 v47, v47;
	v20, _, _ =	vpop (xrf0);
	v51 =	vsub.f32 $2.000000000e+00, v25  }
0xc9: {  	v63 =	vand.u32 $0x7FFFFFFF, v61;
	v40 =	vmul.f32 v61, v61;
	v47 =	vsub.f32 v39, v16;
	v44, _, _ =	vpop (xrf0)  }
0xca: {  	v37 =	vsub.f32 $2.000000000e+00, v63;
	v21 =	vbroadcast v44, $0xF;
	v55 =	vmul.f32 v51, v51  }
0xcb: {  	vm6 =	vlt.f32 v25, $1.000000000e+00;
	v58 =	vmul.f32 v25, v23;
	v23 =	vsub.f32 $6.666666860e-01, v23  }
0xcc: {  	v43 =	vmul.f32 v63, v40;
	vm5 =	veq.f32 v26, v21;
	v26 =	vmul.f32 v55, v51  }
0xcd: {  	v45 =	vsub.f32 $6.666666860e-01, v40;
	v42 =	vmul.f32 v37, v37;
	v28 =	vmul.f32 $5.000000000e-01, v58;
	v60, _, _ =	vpop (xrf2)  }
0xce: {  	v21 =	vadd.f32 v49, v48;
	v26 =	vmul.f32 $1.666666720e-01, v26;
	v62 =	vadd.f32 $2.000000000e+00, v60  }
0xcf: {  	v44 =	vsub.f32 v39, v15;
	v25 =	vmul.f32 v42, v37;
	v23 =	vadd.f32 v28, v23  }
0xd0: {  	v21 =	vadd.f32 v21, v21;
	v38 =	vmax.f32 v26, $0.0e+00;
	v31 =	vbroadcast v62, $0xF  }
0xd1: {  	v46 =	vmul.f32 $5.000000000e-01, v43;
	v28 =	vmul.f32 $5.000000000e-01, v44;
	v23 =	vsel vm6, v23, v38  }
0xd2: {  	v25 =	vmul.f32 $1.666666720e-01, v25;
	v23 =	vmul.f32 $1.000000000e+01, v23;
	v21 =	vsub.f32 v21, v31  }
0xd3: {  	vm7 =	vlt.f32 v63, $1.000000000e+00;
	v48 =	vand.u32 $0x7FFFFFFF, v28;
	v28 =	vmul.f32 v28, v28  }
0xd4: {  	v25 =	vmax.f32 v25, $0.0e+00;
	v23 =	vadd.f32 v21, v23;
	v21 =	vadd.f32 v46, v45  }
0xd5: {  	v49 =	vsub.f32 $2.000000000e+00, v48;
	v26 =	vmul.f32 $5.000000000e-01, v47;
	vm8 =	vlt.f32 v48, $1.000000000e+00  }
0xd6: {  	s29 =	sadd.s32 $0x3, s19;
	v51 =	vmul.f32 v48, v28;
	v28 =	vsub.f32 $6.666666860e-01, v28;
	v21 =	vsel vm7, v21, v25  }
0xd7: {  	v52 =	vmul.f32 v49, v49;
	v50 =	vmul.f32 $1.000000000e+01, v21;
	v21 =	vmov s29  }
0xd8: {  	v53 =	vand.u32 $0x7FFFFFFF, v26;
	v26 =	vmul.f32 v26, v26;
	v56 =	vshll.u32 v21, $0x7  }
0xd9: {  	v54 =	vmul.f32 $5.000000000e-01, v51;
	v55 =	vsub.f32 $2.000000000e+00, v53;
	v58 =	vor.u32 v0, v56  }
0xda: {  	vm9 =	vlt.f32 v53, $1.000000000e+00;
	v59 =	vmul.f32 v53, v26;
	v61 =	vor.u32 v1, v56  }
0xdb: {  	v57 =	vmul.f32 v55, v55;
	v25 =	vmul.f32 v52, v49;
	v40 =	vor.u32 v10, v56  }
0xdc: {  	v26 =	vsub.f32 $6.666666860e-01, v26;
	v28 =	vadd.f32 v54, v28;
	v42 =	vor.u32 v3, v56  }
0xdd: {  	v60 =	vmul.f32 v57, v55;
	v25 =	vmul.f32 $1.666666720e-01, v25;
	v46 =	vor.u32 v4, v56  }
0xde: {  	v35 =	vmul.f32 $5.000000000e-01, v59;
	v24 =	vsub.f32 v24, v31;
	v47 =	vor.u32 v5, v56;
	v63 =	vld.idx.msk [tilespmem:v58+s4+$0x0], $0xffff  }
0xdf: {  	v62 =	vmul.f32 $1.666666720e-01, v60;
	v52 =	vor.u32 v6, v56;
	v25 =	vmax.f32 v25, $0.0e+00;
	v41 =	vld.idx.msk [tilespmem:v61+s4+$0x0], $0xffff  }
0xe0: {  	v26 =	vadd.f32 v35, v26;
	v33 =	vor.u32 v7, v56;
	v25 =	vsel vm8, v28, v25;
	v45 =	vld.idx.msk [tilespmem:v40+s4+$0x0], $0xffff  }
0xe1: {  	v27 =	vsub.f32 v27, v31;
	v28 =	vmax.f32 v62, $0.0e+00;
	v25 =	vmul.f32 $1.000000000e+01, v25;
	v32 =	vld.idx.msk [tilespmem:v42+s4+$0x0], $0xffff  }
0xe2: {  	v22 =	vsel vm4, v12, v22;
	v24 =	vadd.f32 v24, v50;
	v26 =	vsel vm9, v26, v28;
	v35 =	vld.idx.msk [tilespmem:v46+s4+$0x0], $0xffff  }
0xe3: {  	v43 =	vsub.f32 v29, v31;
	v26 =	vmul.f32 $1.000000000e+01, v26;
	v25 =	vadd.f32 v27, v25;
	v37 =	vld.idx.msk [tilespmem:v47+s4+$0x0], $0xffff  }
0xe4: {  	v22 =	vnsel vm5, $0x80000040, v22;
	v29 =	vmax.f32 v23, v24;
	v39 =	vld.idx.msk [tilespmem:v52+s4+$0x0], $0xffff  }
0xe5: {  	v33 =	vld.idx.msk [tilespmem:v33+s4+$0x0], $0xffff;
	v26 =	vadd.f32 v43, v26;
	v31 =	vmax.f32 v29, v25;
	v44 =	vand.u32 $0x80000000, v63  }
0xe6: {  	vm10 =	vlt.f32 v63, $0.0e+00;
	vm11 =	vgt.f32 v63, $0.0e+00;
	v36 =	vand.u32 $0x80000000, v41  }
0xe7: {  	vm12 =	vlt.f32 v41, $0.0e+00;
	vm13 =	vgt.f32 v41, $0.0e+00;
	v50 =	vand.u32 $0x80000000, v45  }
0xe8: {  	vm15 =	vlt.f32 v45, $0.0e+00;
	vm6 =	vgt.f32 v45, $0.0e+00;
	v53 =	vand.u32 $0x80000000, v32  }
0xe9: {  	vm7 =	vlt.f32 v32, $0.0e+00;
	vm8 =	vgt.f32 v32, $0.0e+00;
	v55 =	vand.u32 $0x80000000, v35  }
0xea: {  	v56 =	vand.u32 $0x80000000, v37;
	v59 =	vand.u32 $0x80000000, v39;
	v60 =	vand.u32 $0x80000000, v33  }
0xeb: {  	v27 =	vor.u32 v44, v2;
	vm0 =	vmor vm11, vm10;
	v48 =	vor.u32 v36, v2  }
0xec: {  	vm14 =	vmor vm13, vm12;
	v36 =	vor.u32 v50, v2;
	v40 =	vor.u32 v53, v2  }
0xed: {  	vm9 =	vmor vm8, vm7;
	vm10 =	vlt.f32 v35, $0.0e+00;
	vm11 =	vgt.f32 v35, $0.0e+00  }
0xee: {  	vm12 =	vlt.f32 v37, $0.0e+00;
	vm13 =	vgt.f32 v37, $0.0e+00;
	vm7 =	vlt.f32 v33, $0.0e+00  }
0xef: {  	vm8 =	vgt.f32 v33, $0.0e+00;
	v42 =	vor.u32 v60, v2;
	v27 =	vsel vm0, v27, v63  }
0xf0: {  	v28 =	vsel vm14, v48, v41;
	vm0 =	vmor vm6, vm15;
	v32 =	vsel vm9, v40, v32  }
0xf1: {  	v40 =	vor.u32 v55, v2;
	v41 =	vor.u32 v56, v2;
	vm14 =	vmor vm13, vm12  }
0xf2: {  	vm15 =	vlt.f32 v39, $0.0e+00;
	vm6 =	vgt.f32 v39, $0.0e+00;
	vm9 =	vmor vm8, vm7  }
0xf3: {  	v49 =	vmul.f32 v27, v27;
	v51 =	vmul.f32 v28, v28;
	v34 =	vsel vm0, v36, v45  }
0xf4: {  	v54 =	vmul.f32 v32, v32;
	vm0 =	vmor vm11, vm10;
	v37 =	vsel vm14, v41, v37  }
0xf5: {  	v41 =	vor.u32 v59, v2;
	v33 =	vsel vm9, v42, v33;
	v36 =	vmul.f32 v34, v34  }
0xf6: {  	v35 =	vsel vm0, v40, v35;
	v58 =	vmul.f32 v37, v37;
	vm0 =	vmor vm6, vm15  }
0xf7: {  	v30 =	vadd.f32 v51, v49;
	v57 =	vmul.f32 v35, v35;
	v36 =	vadd.f32 v54, v36  }
0xf8: {  	v63 =	vmax.f32 v31, v26;
	v62 =	vmul.f32 v33, v33;
	v61 =	vsel vm0, v41, v39  }
0xf9: {  	v39 =	vmul.f32 v61, v61;
	v38 =	vadd.f32 v58, v57;
	v30 =	vadd.f32 v36, v30  }
0xfa: {  	vm12 =	vgt.f32 v26, v31;
	vm10 =	vgt.f32 v24, v23;
	vm11 =	vgt.f32 v25, v29  }
0xfb: {  	(xrf0) =	vmin.scan.msk.u32 $0xffff, v22;
	v48 =	vmax.f32 v27, $0.0e+00;
	v43 =	vadd.f32 v62, v39;
	v42 =	vadd.f32 v38, v30;
	v30 =	vld.idx.msk [tilespmem:v21+s11+$0x0], $0xffff  }
0xfc: {  	(xrf0) =	vmax.scan.msk.f32 $0xffff, v63;
	v24 =	vsel vm10, v9, v8;
	v50 =	vmax.f32 v34, $0.0e+00;
	v55 =	vmax.f32 v37, $0.0e+00  }
0xfd: {  	v33 =	vmax.f32 v33, $0.0e+00;
	v49 =	vmax.f32 v28, $0.0e+00;
	v22 =	vadd.f32 v43, v42  }
0xfe: {  	v51 =	vmax.f32 v32, $0.0e+00;
	v23 =	vadd.f32 v49, v48;
	v54 =	vmax.f32 v35, $0.0e+00  }
0xff: {  	v52 =	vadd.f32 v51, v50;
	v59 =	vmax.f32 v61, $0.0e+00;
	v28 =	vadd.f32 v55, v54  }
0x100: {  	v47 =	vsel vm11, v11, v24;
	v33 =	vadd.f32 v33, v59;
	(xrf2) =	vadd.scan.msk.f32 $0xffff, v22;
	v46 =	vsub.f32 v30, v13  }
0x101: {  	v24 =	vsel vm12, v12, v47;
	v23 =	vadd.f32 v23, v23;
	v58 =	vsub.f32 v30, v14;
	v22, _, _ =	vpop (xrf0)  }
0x102: {  	v26 =	vadd.f32 v52, v52;
	v28 =	vadd.f32 v28, v28;
	v44, _, _ =	vpop (xrf0);
	v25 =	vmul.f32 $5.000000000e-01, v46  }
0x103: {  	v33 =	vadd.f32 v33, v33;
	v32 =	vmul.f32 $5.000000000e-01, v58;
	v45 =	vbroadcast v44, $0xF  }
0x104: {  	v44 =	vsub.f32 v30, v15;
	v30 =	vsub.f32 v30, v16;
	v53 =	vand.u32 $0x7FFFFFFF, v25  }
0x105: {  	v25 =	vmul.f32 v25, v25;
	vm0 =	veq.f32 v63, v45;
	v56 =	vsub.f32 $2.000000000e+00, v53  }
0x106: {  	v63 =	vand.u32 $0x7FFFFFFF, v32;
	v32 =	vmul.f32 v32, v32;
	v45 =	vmul.f32 $5.000000000e-01, v44  }
0x107: {  	vm13 =	vlt.f32 v53, $1.000000000e+00;
	v30 =	vmul.f32 $5.000000000e-01, v30;
	v60 =	vmul.f32 v56, v56  }
0x108: {  	v61 =	vmul.f32 v53, v25;
	v25 =	vsub.f32 $6.666666860e-01, v25;
	v40 =	vsub.f32 $2.000000000e+00, v63  }
0x109: {  	vm14 =	vlt.f32 v63, $1.000000000e+00;
	v43 =	vmul.f32 v63, v32;
	v31 =	vmul.f32 v60, v56  }
0x10a: {  	v32 =	vsub.f32 $6.666666860e-01, v32;
	v47 =	vand.u32 $0x7FFFFFFF, v45;
	v62 =	vmul.f32 $5.000000000e-01, v61;
	v57, _, _ =	vpop (xrf2)  }
0x10b: {  	v42 =	vmul.f32 v40, v40;
	v29 =	vadd.f32 $2.000000000e+00, v57;
	v31 =	vmul.f32 $1.666666720e-01, v31  }
0x10c: {  	v49 =	vmul.f32 v45, v45;
	v53 =	vand.u32 $0x7FFFFFFF, v30;
	v25 =	vadd.f32 v62, v25  }
0x10d: {  	v29 =	vbroadcast v29, $0xF;
	v41 =	vmax.f32 v31, $0.0e+00;
	v31 =	vmul.f32 v42, v40  }
0x10e: {  	v48 =	vsub.f32 $2.000000000e+00, v47;
	v27 =	vmul.f32 $5.000000000e-01, v43;
	v25 =	vsel vm13, v25, v41  }
0x10f: {  	v23 =	vsub.f32 v23, v29;
	v25 =	vmul.f32 $1.000000000e+01, v25;
	v46 =	vmul.f32 $1.666666720e-01, v31  }
0x110: {  	v30 =	vmul.f32 v30, v30;
	v54 =	vsub.f32 $2.000000000e+00, v53;
	v27 =	vadd.f32 v27, v32  }
0x111: {  	vm15 =	vlt.f32 v47, $1.000000000e+00;
	v25 =	vadd.f32 v23, v25;
	v23 =	vmax.f32 v46, $0.0e+00  }
0x112: {  	s30 =	sadd.s32 $0x4, s19;
	vm4 =	vlt.f32 v53, $1.000000000e+00;
	v52 =	vmul.f32 v47, v49;
	v23 =	vsel vm14, v27, v23  }
0x113: {  	v58 =	vmul.f32 v53, v30;
	v50 =	vmul.f32 $1.000000000e+01, v23;
	v23 =	vmov s30  }
0x114: {  	v30 =	vsub.f32 $6.666666860e-01, v30;
	v51 =	vmul.f32 v48, v48;
	v38 =	vshll.u32 v23, $0x7  }
0x115: {  	v56 =	vmul.f32 v54, v54;
	v36 =	vmul.f32 $5.000000000e-01, v52;
	v55 =	vor.u32 v0, v38  }
0x116: {  	v61 =	vmul.f32 $5.000000000e-01, v58;
	v32 =	vmul.f32 v51, v48;
	v57 =	vor.u32 v1, v38  }
0x117: {  	v60 =	vmul.f32 v56, v54;
	v27 =	vsub.f32 $6.666666860e-01, v49;
	v63 =	vor.u32 v10, v38  }
0x118: {  	v30 =	vadd.f32 v61, v30;
	v32 =	vmul.f32 $1.666666720e-01, v32;
	v42 =	vor.u32 v3, v38  }
0x119: {  	v26 =	vsub.f32 v26, v29;
	v27 =	vadd.f32 v36, v27;
	v46 =	vor.u32 v4, v38  }
0x11a: {  	v40 =	vmul.f32 $1.666666720e-01, v60;
	v59 =	vmax.f32 v32, $0.0e+00;
	v48 =	vor.u32 v5, v38;
	v62 =	vld.idx.msk [tilespmem:v55+s4+$0x0], $0xffff  }
0x11b: {  	v28 =	vsub.f32 v28, v29;
	v52 =	vor.u32 v6, v38;
	v27 =	vsel vm15, v27, v59;
	v41 =	vld.idx.msk [tilespmem:v57+s4+$0x0], $0xffff  }
0x11c: {  	v31 =	vmax.f32 v40, $0.0e+00;
	v38 =	vor.u32 v7, v38;
	v27 =	vmul.f32 $1.000000000e+01, v27;
	v45 =	vld.idx.msk [tilespmem:v63+s4+$0x0], $0xffff  }
0x11d: {  	v29 =	vsub.f32 v33, v29;
	v43 =	vsel vm4, v30, v31;
	v35 =	vld.idx.msk [tilespmem:v42+s4+$0x0], $0xffff  }
0x11e: {  	v26 =	vadd.f32 v26, v50;
	v27 =	vadd.f32 v28, v27;
	v28 =	vmul.f32 $1.000000000e+01, v43;
	v33 =	vld.idx.msk [tilespmem:v46+s4+$0x0], $0xffff  }
0x11f: {  	v37 =	vld.idx.msk [tilespmem:v48+s4+$0x0], $0xffff  }
0x120: {  	v40 =	vld.idx.msk [tilespmem:v52+s4+$0x0], $0xffff;
	v63 =	vmax.f32 v25, v26;
	v28 =	vadd.f32 v29, v28;
	v44 =	vand.u32 $0x80000000, v62  }
0x121: {  	v38 =	vld.idx.msk [tilespmem:v38+s4+$0x0], $0xffff;
	vm5 =	vlt.f32 v62, $0.0e+00;
	vm6 =	vgt.f32 v62, $0.0e+00;
	v47 =	vand.u32 $0x80000000, v41  }
0x122: {  	vm7 =	vlt.f32 v41, $0.0e+00;
	vm8 =	vgt.f32 v41, $0.0e+00;
	v50 =	vand.u32 $0x80000000, v45  }
0x123: {  	vm10 =	vlt.f32 v45, $0.0e+00;
	vm11 =	vgt.f32 v45, $0.0e+00;
	v53 =	vand.u32 $0x80000000, v35  }
0x124: {  	vm12 =	vlt.f32 v35, $0.0e+00;
	vm13 =	vgt.f32 v35, $0.0e+00;
	v55 =	vand.u32 $0x80000000, v33  }
0x125: {  	vm15 =	vlt.f32 v33, $0.0e+00;
	v56 =	vand.u32 $0x80000000, v37;
	v59 =	vand.u32 $0x80000000, v40  }
0x126: {  	v60 =	vand.u32 $0x80000000, v38;
	v30 =	vor.u32 v44, v2;
	vm1 =	vmor vm6, vm5  }
0x127: {  	v34 =	vor.u32 v47, v2;
	vm9 =	vmor vm8, vm7;
	v36 =	vor.u32 v50, v2  }
0x128: {  	vm14 =	vmor vm13, vm12;
	vm8 =	vgt.f32 v33, $0.0e+00;
	v42 =	vor.u32 v56, v2  }
0x129: {  	vm12 =	vlt.f32 v40, $0.0e+00;
	vm13 =	vgt.f32 v40, $0.0e+00;
	v43 =	vor.u32 v60, v2  }
0x12a: {  	v30 =	vsel vm1, v30, v62;
	v32 =	vsel vm9, v34, v41;
	vm1 =	vmor vm11, vm10  }
0x12b: {  	v41 =	vor.u32 v53, v2;
	vm9 =	vlt.f32 v37, $0.0e+00;
	vm10 =	vgt.f32 v37, $0.0e+00  }
0x12c: {  	v49 =	vmul.f32 v30, v30;
	v51 =	vmul.f32 v32, v32;
	v31 =	vsel vm1, v36, v45  }
0x12d: {  	v35 =	vsel vm14, v41, v35;
	v41 =	vor.u32 v55, v2;
	vm1 =	vmor vm8, vm15  }
0x12e: {  	vm11 =	vmor vm10, vm9;
	vm14 =	vlt.f32 v38, $0.0e+00;
	vm15 =	vgt.f32 v38, $0.0e+00  }
0x12f: {  	v36 =	vmul.f32 v31, v31;
	v54 =	vmul.f32 v35, v35;
	v33 =	vsel vm1, v41, v33  }
0x130: {  	v37 =	vsel vm11, v42, v37;
	v42 =	vor.u32 v59, v2;
	vm1 =	vmor vm13, vm12  }
0x131: {  	vm8 =	vmor vm15, vm14;
	v34 =	vadd.f32 v51, v49;
	v57 =	vmul.f32 v33, v33  }
0x132: {  	v58 =	vmul.f32 v37, v37;
	v61 =	vsel vm1, v42, v40;
	v38 =	vsel vm8, v43, v38  }
0x133: {  	v36 =	vadd.f32 v54, v36;
	v40 =	vmul.f32 v61, v61;
	v62 =	vmul.f32 v38, v38  }
0x134: {  	v24 =	vnsel vm0, $0x80000040, v24;
	v45 =	vmax.f32 v63, v27;
	v39 =	vadd.f32 v58, v57  }
0x135: {  	(xrf0) =	vmin.scan.msk.u32 $0xffff, v24;
	v34 =	vadd.f32 v36, v34;
	v46 =	vadd.f32 v62, v40;
	v40 =	vmax.f32 v45, v28  }
0x136: {  	(xrf0) =	vmax.scan.msk.f32 $0xffff, v40  }
0x137: {  	vm9 =	vgt.f32 v26, v25;
	vm10 =	vgt.f32 v27, v63;
	v34 =	vadd.f32 v39, v34  }
0x138: {  	v50 =	vmax.f32 v32, $0.0e+00;
	vm11 =	vgt.f32 v28, v45;
	v53 =	vmax.f32 v31, $0.0e+00  }
0x139: {  	v49 =	vmax.f32 v30, $0.0e+00;
	v56 =	vmax.f32 v33, $0.0e+00;
	v47 =	vadd.f32 v46, v34;
	v34 =	vld.idx.msk [tilespmem:v23+s11+$0x0], $0xffff  }
0x13a: {  	v25 =	vadd.f32 v50, v49;
	v54 =	vmax.f32 v35, $0.0e+00;
	v57 =	vmax.f32 v37, $0.0e+00  }
0x13b: {  	v24, _, _ =	vpop (xrf0);
	v52 =	vsel vm9, v9, v8;
	v27 =	vadd.f32 v54, v53;
	v30 =	vadd.f32 v57, v56  }
0x13c: {  	v29 =	vsel vm10, v11, v52;
	v38 =	vmax.f32 v38, $0.0e+00;
	v25 =	vadd.f32 v25, v25;
	v48, _, _ =	vpop (xrf0)  }
0x13d: {  	v27 =	vadd.f32 v27, v27;
	v30 =	vadd.f32 v30, v30;
	v26 =	vbroadcast v48, $0xF  }
0x13e: {  	v36 =	vmax.f32 v61, $0.0e+00;
	(xrf2) =	vadd.scan.msk.f32 $0xffff, v47;
	v51 =	vsub.f32 v34, v13;
	v55 =	vsub.f32 v34, v14  }
0x13f: {  	v52 =	vsub.f32 v34, v15;
	v53 =	vsub.f32 v34, v16;
	vm1 =	veq.f32 v40, v26  }
0x140: {  	v26 =	vsel vm11, v12, v29;
	v28 =	vmul.f32 $5.000000000e-01, v51;
	v31 =	vmul.f32 $5.000000000e-01, v55  }
0x141: {  	v54 =	vmul.f32 $5.000000000e-01, v52;
	v55 =	vadd.f32 v38, v36;
	v33 =	vmul.f32 $5.000000000e-01, v53  }
0x142: {  	v59 =	vand.u32 $0x7FFFFFFF, v28;
	v28 =	vmul.f32 v28, v28;
	v61 =	vand.u32 $0x7FFFFFFF, v31  }
0x143: {  	v31 =	vmul.f32 v31, v31;
	v56 =	vand.u32 $0x7FFFFFFF, v54;
	v34 =	vmul.f32 v54, v54  }
0x144: {  	v60 =	vsub.f32 $2.000000000e+00, v59;
	v63 =	vsub.f32 $2.000000000e+00, v61;
	vm12 =	vlt.f32 v59, $1.000000000e+00  }
0x145: {  	vm13 =	vlt.f32 v61, $1.000000000e+00;
	v57 =	vsub.f32 $2.000000000e+00, v56;
	vm14 =	vlt.f32 v56, $1.000000000e+00  }
0x146: {  	v45 =	vmul.f32 v59, v28;
	v28 =	vsub.f32 $6.666666860e-01, v28;
	v62 =	vmul.f32 v60, v60  }
0x147: {  	v47 =	vmul.f32 v61, v31;
	v31 =	vsub.f32 $6.666666860e-01, v31;
	v61 =	vmul.f32 v56, v34  }
0x148: {  	v34 =	vsub.f32 $6.666666860e-01, v34;
	v58, _, _ =	vpop (xrf2);
	v46 =	vmul.f32 v63, v63;
	v35 =	vmul.f32 v62, v60  }
0x149: {  	v32 =	vadd.f32 $2.000000000e+00, v58;
	v42 =	vmul.f32 $5.000000000e-01, v45;
	v48 =	vmul.f32 $5.000000000e-01, v47  }
0x14a: {  	v58 =	vand.u32 $0x7FFFFFFF, v33;
	v33 =	vmul.f32 v33, v33;
	v35 =	vmul.f32 $1.666666720e-01, v35  }
0x14b: {  	v39 =	vmul.f32 v46, v63;
	v59 =	vsub.f32 $2.000000000e+00, v58;
	v28 =	vadd.f32 v42, v28  }
0x14c: {  	v60 =	vmul.f32 v57, v57;
	v32 =	vbroadcast v32, $0xF;
	v49 =	vmax.f32 v35, $0.0e+00  }
0x14d: {  	vm15 =	vlt.f32 v58, $1.000000000e+00;
	v31 =	vadd.f32 v48, v31;
	v28 =	vsel vm12, v28, v49  }
0x14e: {  	v46 =	vmul.f32 v58, v33;
	v25 =	vsub.f32 v25, v32;
	v28 =	vmul.f32 $1.000000000e+01, v28  }
0x14f: {  	s31 =	sadd.s32 $0x5, s19;
	v42 =	vmul.f32 $5.000000000e-01, v61;
	v33 =	vsub.f32 $6.666666860e-01, v33;
	v50 =	vmul.f32 $1.666666720e-01, v39  }
0x150: {  	v62 =	vmul.f32 v59, v59;
	v28 =	vadd.f32 v25, v28;
	v25 =	vmov s31  }
0x151: {  	v36 =	vmul.f32 v60, v57;
	v27 =	vsub.f32 v27, v32;
	v41 =	vshll.u32 v25, $0x7  }
0x152: {  	v39 =	vmul.f32 $5.000000000e-01, v46;
	v34 =	vadd.f32 v42, v34;
	v63 =	vor.u32 v0, v41  }
0x153: {  	v51 =	vmax.f32 v50, $0.0e+00;
	v38 =	vmul.f32 v62, v59;
	v47 =	vor.u32 v1, v41  }
0x154: {  	v36 =	vmul.f32 $1.666666720e-01, v36;
	v31 =	vsel vm13, v31, v51;
	v50 =	vor.u32 v10, v41  }
0x155: {  	v35 =	vadd.f32 v55, v55;
	v31 =	vmul.f32 $1.000000000e+01, v31;
	v52 =	vor.u32 v3, v41  }
0x156: {  	v33 =	vadd.f32 v39, v33;
	v48 =	vmul.f32 $1.666666720e-01, v38;
	v55 =	vor.u32 v4, v41  }
0x157: {  	v36 =	vmax.f32 v36, $0.0e+00;
	v27 =	vadd.f32 v27, v31;
	v57 =	vor.u32 v5, v41;
	v49 =	vld.idx.msk [tilespmem:v63+s4+$0x0], $0xffff  }
0x158: {  	v31 =	vmax.f32 v48, $0.0e+00;
	v61 =	vor.u32 v6, v41;
	v41 =	vor.u32 v7, v41;
	v51 =	vld.idx.msk [tilespmem:v47+s4+$0x0], $0xffff  }
0x159: {  	v30 =	vsub.f32 v30, v32;
	v34 =	vsel vm14, v34, v36;
	v31 =	vsel vm15, v33, v31;
	v54 =	vld.idx.msk [tilespmem:v50+s4+$0x0], $0xffff  }
0x15a: {  	v32 =	vsub.f32 v35, v32;
	v34 =	vmul.f32 $1.000000000e+01, v34;
	v31 =	vmul.f32 $1.000000000e+01, v31;
	v36 =	vld.idx.msk [tilespmem:v52+s4+$0x0], $0xffff  }
0x15b: {  	v26 =	vnsel vm1, $0x80000040, v26;
	v35 =	vld.idx.msk [tilespmem:v55+s4+$0x0], $0xffff  }
0x15c: {  	v29 =	vmax.f32 v28, v27;
	v30 =	vadd.f32 v30, v34;
	v31 =	vadd.f32 v32, v31;
	v39 =	vld.idx.msk [tilespmem:v57+s4+$0x0], $0xffff  }
0x15d: {  	v41 =	vld.idx.msk [tilespmem:v41+s4+$0x0], $0xffff;
	v53 =	vand.u32 $0x80000000, v49;
	vm4 =	vlt.f32 v49, $0.0e+00;
	vm5 =	vgt.f32 v49, $0.0e+00  }
0x15e: {  	v56 =	vand.u32 $0x80000000, v51;
	vm6 =	vlt.f32 v51, $0.0e+00;
	vm7 =	vgt.f32 v51, $0.0e+00  }
0x15f: {  	v59 =	vand.u32 $0x80000000, v54;
	vm9 =	vlt.f32 v54, $0.0e+00;
	vm10 =	vgt.f32 v54, $0.0e+00  }
0x160: {  	v42 =	vld.idx.msk [tilespmem:v61+s4+$0x0], $0xffff;
	v62 =	vand.u32 $0x80000000, v36;
	vm11 =	vlt.f32 v36, $0.0e+00;
	vm12 =	vgt.f32 v36, $0.0e+00  }
0x161: {  	v47 =	vand.u32 $0x80000000, v35;
	vm14 =	vlt.f32 v35, $0.0e+00;
	vm15 =	vgt.f32 v35, $0.0e+00  }
0x162: {  	v48 =	vand.u32 $0x80000000, v39;
	v45 =	vand.u32 $0x80000000, v41;
	v32 =	vor.u32 v53, v2  }
0x163: {  	vm0 =	vmor vm5, vm4;
	v37 =	vor.u32 v56, v2;
	vm8 =	vmor vm7, vm6  }
0x164: {  	v38 =	vor.u32 v59, v2;
	v43 =	vor.u32 v62, v2;
	vm13 =	vmor vm12, vm11  }
0x165: {  	v44 =	vor.u32 v48, v2;
	vm11 =	vlt.f32 v42, $0.0e+00;
	vm12 =	vgt.f32 v42, $0.0e+00  }
0x166: {  	v45 =	vor.u32 v45, v2;
	vm4 =	vgt.f32 v27, v28;
	v32 =	vsel vm0, v32, v49  }
0x167: {  	v33 =	vsel vm8, v37, v51;
	vm0 =	vmor vm10, vm9;
	v36 =	vsel vm13, v43, v36  }
0x168: {  	v43 =	vor.u32 v47, v2;
	vm8 =	vlt.f32 v39, $0.0e+00;
	vm9 =	vgt.f32 v39, $0.0e+00  }
0x169: {  	v51 =	vand.u32 $0x80000000, v42;
	vm13 =	vlt.f32 v41, $0.0e+00;
	v58 =	vmul.f32 v32, v32  }
0x16a: {  	v60 =	vmul.f32 v33, v33;
	v34 =	vsel vm0, v38, v54;
	v63 =	vmul.f32 v36, v36  }
0x16b: {  	vm0 =	vmor vm15, vm14;
	vm10 =	vmor vm9, vm8;
	vm14 =	vgt.f32 v41, $0.0e+00  }
0x16c: {  	v38 =	vmul.f32 v34, v34;
	v35 =	vsel vm0, v43, v35;
	v39 =	vsel vm10, v44, v39  }
0x16d: {  	v44 =	vor.u32 v51, v2;
	vm0 =	vmor vm12, vm11;
	v37 =	vadd.f32 v60, v58  }
0x16e: {  	v49 =	vmul.f32 v35, v35;
	v50 =	vmul.f32 v39, v39;
	v38 =	vadd.f32 v63, v38  }
0x16f: {  	vm5 =	vgt.f32 v30, v29;
	vm15 =	vmor vm14, vm13;
	v52 =	vsel vm0, v44, v42  }
0x170: {  	v41 =	vsel vm15, v45, v41;
	v40 =	vadd.f32 v50, v49;
	v37 =	vadd.f32 v38, v37  }
0x171: {  	v59 =	vsel vm4, v9, v8;
	v42 =	vmul.f32 v52, v52;
	v53 =	vmul.f32 v41, v41  }
0x172: {  	v54 =	vmax.f32 v29, v30;
	v29 =	vsel vm5, v11, v59;
	v55 =	vadd.f32 v40, v37;
	v40 =	vld.idx.msk [tilespmem:v25+s11+$0x0], $0xffff  }
0x173: {  	(xrf0) =	vmin.scan.msk.u32 $0xffff, v26;
	v61 =	vmax.f32 v33, $0.0e+00;
	v45 =	vmax.f32 v54, v31;
	v56 =	vadd.f32 v53, v42  }
0x174: {  	vm6 =	vgt.f32 v31, v54;
	v62 =	vmax.f32 v34, $0.0e+00;
	v60 =	vmax.f32 v32, $0.0e+00;
	(xrf0) =	vmax.scan.msk.f32 $0xffff, v45  }
0x175: {  	v44 =	vmax.f32 v36, $0.0e+00;
	v46 =	vmax.f32 v35, $0.0e+00;
	v26 =	vadd.f32 v56, v55  }
0x176: {  	v48 =	vmax.f32 v39, $0.0e+00;
	v30 =	vadd.f32 v61, v60;
	v31 =	vadd.f32 v44, v62  }
0x177: {  	v33 =	vadd.f32 v48, v46;
	v36 =	vmax.f32 v52, $0.0e+00;
	(xrf2) =	vadd.scan.msk.f32 $0xffff, v26;
	v57 =	vsub.f32 v40, v13  }
0x178: {  	v41 =	vmax.f32 v41, $0.0e+00;
	v49 =	vsub.f32 v40, v14;
	v60 =	vsub.f32 v40, v15  }
0x179: {  	v30 =	vadd.f32 v30, v30;
	v31 =	vadd.f32 v31, v31;
	v26, _, _ =	vpop (xrf0);
	v27 =	vmul.f32 $5.000000000e-01, v57  }
0x17a: {  	v33 =	vadd.f32 v33, v33;
	v58, _, _ =	vpop (xrf0);
	v37 =	vmul.f32 $5.000000000e-01, v49;
	v62 =	vmul.f32 $5.000000000e-01, v60  }
0x17b: {  	v28 =	vbroadcast v58, $0xF;
	v63 =	vand.u32 $0x7FFFFFFF, v27;
	v27 =	vmul.f32 v27, v27  }
0x17c: {  	v54 =	vand.u32 $0x7FFFFFFF, v37;
	v56 =	vmul.f32 v37, v37;
	v47 =	vsub.f32 $2.000000000e+00, v63  }
0x17d: {  	v55 =	vsub.f32 $2.000000000e+00, v54;
	vm7 =	vlt.f32 v63, $1.000000000e+00;
	vm8 =	vlt.f32 v54, $1.000000000e+00  }
0x17e: {  	vm0 =	veq.f32 v45, v28;
	v52 =	vmul.f32 v63, v27;
	v27 =	vsub.f32 $6.666666860e-01, v27  }
0x17f: {  	v59 =	vmul.f32 v54, v56;
	v63 =	vand.u32 $0x7FFFFFFF, v62;
	v50 =	vmul.f32 v47, v47  }
0x180: {  	v35 =	vsub.f32 $6.666666860e-01, v56;
	v58 =	vmul.f32 v55, v55;
	vm9 =	vlt.f32 v63, $1.000000000e+00  }
0x181: {  	v53 =	vmul.f32 $5.000000000e-01, v52;
	v52 =	vsub.f32 $2.000000000e+00, v63;
	v51, _, _ =	vpop (xrf2);
	v34 =	vmul.f32 v50, v47  }
0x182: {  	v32 =	vmul.f32 $5.000000000e-01, v59;
	v38 =	vadd.f32 $2.000000000e+00, v51;
	v51 =	vsub.f32 v40, v16  }
0x183: {  	v27 =	vadd.f32 v53, v27;
	v53 =	vmul.f32 v52, v52;
	v34 =	vmul.f32 $1.666666720e-01, v34  }
0x184: {  	v32 =	vadd.f32 v32, v35;
	v42 =	vbroadcast v38, $0xF;
	v37 =	vmul.f32 $5.000000000e-01, v51  }
0x185: {  	v38 =	vmul.f32 v53, v52;
	v53 =	vadd.f32 v41, v36;
	v57 =	vmax.f32 v34, $0.0e+00  }
0x186: {  	v34 =	vmul.f32 v58, v55;
	v30 =	vsub.f32 v30, v42;
	v27 =	vsel vm7, v27, v57  }
0x187: {  	v46 =	vand.u32 $0x7FFFFFFF, v37;
	v37 =	vmul.f32 v37, v37;
	v57 =	vmul.f32 $1.666666720e-01, v38  }
0x188: {  	v31 =	vsub.f32 v31, v42;
	v27 =	vmul.f32 $1.000000000e+01, v27;
	v61 =	vmul.f32 $1.666666720e-01, v34  }
0x189: {  	v33 =	vsub.f32 v33, v42;
	v28 =	vadd.f32 v53, v53;
	v34 =	vmul.f32 v62, v62  }
0x18a: {  	s21 =	sadd.s32 $0x6, s19;
	v56 =	vsub.f32 $2.000000000e+00, v46;
	v30 =	vadd.f32 v30, v27;
	v27 =	vmax.f32 v61, $0.0e+00  }
0x18b: {  	v59 =	vmul.f32 v46, v37;
	v32 =	vsel vm8, v32, v27;
	v27 =	vmov s21  }
0x18c: {  	v28 =	vsub.f32 v28, v42;
	v55 =	vmul.f32 v63, v34;
	v39 =	vshll.u32 v27, $0x7  }
0x18d: {  	v34 =	vsub.f32 $6.666666860e-01, v34;
	v58 =	vmul.f32 v56, v56;
	v54 =	vor.u32 v0, v39  }
0x18e: {  	v61 =	vsub.f32 $6.666666860e-01, v37;
	v44 =	vmul.f32 $5.000000000e-01, v55;
	v47 =	vor.u32 v1, v39  }
0x18f: {  	v62 =	vmul.f32 $5.000000000e-01, v59;
	v32 =	vmul.f32 $1.000000000e+01, v32;
	v48 =	vor.u32 v10, v39  }
0x190: {  	v60 =	vmul.f32 v58, v56;
	v50 =	vor.u32 v3, v39;
	v34 =	vadd.f32 v44, v34  }
0x191: {  	v51 =	vor.u32 v4, v39;
	v31 =	vadd.f32 v31, v32;
	v32 =	vmax.f32 v57, $0.0e+00;
	v42 =	vld.idx.msk [tilespmem:v27+s11+$0x0], $0xffff  }
0x192: {  	v52 =	vor.u32 v5, v39;
	v35 =	vmul.f32 $1.666666720e-01, v60;
	v32 =	vsel vm9, v34, v32;
	v43 =	vld.idx.msk [tilespmem:v54+s4+$0x0], $0xffff  }
0x193: {  	v34 =	vadd.f32 v62, v61;
	v62 =	vor.u32 v6, v39;
	v32 =	vmul.f32 $1.000000000e+01, v32;
	v63 =	vld.idx.msk [tilespmem:v47+s4+$0x0], $0xffff  }
0x194: {  	vm10 =	vlt.f32 v46, $1.000000000e+00;
	v35 =	vmax.f32 v35, $0.0e+00;
	v49 =	vld.idx.msk [tilespmem:v48+s4+$0x0], $0xffff  }
0x195: {  	v34 =	vsel vm10, v34, v35;
	v54 =	vld.idx.msk [tilespmem:v50+s4+$0x0], $0xffff;
	v56 =	vadd.f32 v33, v32  }
0x196: {  	v29 =	vsel vm6, v12, v29;
	v55 =	vmax.f32 v30, v31;
	v35 =	vld.idx.msk [tilespmem:v51+s4+$0x0], $0xffff;
	v34 =	vmul.f32 $1.000000000e+01, v34  }
0x197: {  	v29 =	vnsel vm0, $0x80000040, v29;
	vm1 =	vgt.f32 v31, v30;
	v44 =	vld.idx.msk [tilespmem:v52+s4+$0x0], $0xffff;
	v38 =	vmax.f32 v55, v56  }
0x198: {  	v40 =	vld.idx.msk [tilespmem:v62+s4+$0x0], $0xffff;
	v45 =	vadd.f32 v28, v34;
	v62 =	vsub.f32 v42, v14;
	vm11 =	vlt.f32 v43, $0.0e+00  }
0x199: {  	vm12 =	vgt.f32 v43, $0.0e+00;
	vm13 =	vlt.f32 v63, $0.0e+00;
	vm14 =	vgt.f32 v63, $0.0e+00  }
0x19a: {  	vm8 =	vlt.f32 v49, $0.0e+00;
	vm9 =	vgt.f32 v49, $0.0e+00;
	v57 =	vand.u32 $0x80000000, v43  }
0x19b: {  	v58 =	vand.u32 $0x80000000, v63;
	v59 =	vand.u32 $0x80000000, v49;
	v61 =	vand.u32 $0x80000000, v54  }
0x19c: {  	vm10 =	vlt.f32 v54, $0.0e+00;
	v51 =	vand.u32 $0x80000000, v35;
	v52 =	vand.u32 $0x80000000, v44  }
0x19d: {  	vm2 =	vmor vm12, vm11;
	vm15 =	vmor vm14, vm13;
	vm4 =	vmor vm9, vm8  }
0x19e: {  	v30 =	vor.u32 v57, v2;
	v31 =	vor.u32 v58, v2;
	v60 =	vor.u32 v59, v2  }
0x19f: {  	vm11 =	vgt.f32 v54, $0.0e+00;
	v33 =	vor.u32 v61, v2;
	vm12 =	vlt.f32 v35, $0.0e+00  }
0x1a0: {  	vm13 =	vgt.f32 v35, $0.0e+00;
	vm14 =	vlt.f32 v44, $0.0e+00;
	vm8 =	vgt.f32 v56, v55  }
0x1a1: {  	v53 =	vor.u32 v51, v2;
	v58 =	vsub.f32 v42, v13;
	v32 =	vsel vm2, v30, v43  }
0x1a2: {  	v30 =	vsel vm15, v31, v63;
	v31 =	vsel vm4, v60, v49;
	vm2 =	vmor vm11, vm10  }
0x1a3: {  	vm3 =	vmor vm13, vm12;
	vm15 =	vgt.f32 v44, $0.0e+00;
	v63 =	vor.u32 v7, v39  }
0x1a4: {  	v33 =	vsel vm2, v33, v54;
	vm4 =	vmor vm15, vm14;
	v47 =	vmul.f32 v32, v32  }
0x1a5: {  	v48 =	vmul.f32 v30, v30;
	v49 =	vmul.f32 v31, v31;
	v54 =	vor.u32 v52, v2  }
0x1a6: {  	v34 =	vsel vm3, v53, v35;
	v57 =	vand.u32 $0x80000000, v40;
	vm9 =	vlt.f32 v40, $0.0e+00  }
0x1a7: {  	vm10 =	vgt.f32 v40, $0.0e+00;
	v61 =	vmul.f32 $5.000000000e-01, v58;
	v32 =	vmax.f32 v32, $0.0e+00  }
0x1a8: {  	v30 =	vmax.f32 v30, $0.0e+00;
	v31 =	vmax.f32 v31, $0.0e+00;
	v50 =	vmul.f32 v33, v33  }
0x1a9: {  	v35 =	vsel vm4, v54, v44;
	v28 =	vmul.f32 v34, v34;
	v59 =	vor.u32 v57, v2  }
0x1aa: {  	vm3 =	vmor vm10, vm9;
	v44 =	vmul.f32 $5.000000000e-01, v62;
	v33 =	vmax.f32 v33, $0.0e+00  }
0x1ab: {  	v30 =	vadd.f32 v30, v32;
	v34 =	vmax.f32 v34, $0.0e+00;
	v39 =	vadd.f32 v48, v47  }
0x1ac: {  	v56 =	vmul.f32 v35, v35;
	v41 =	vand.u32 $0x7FFFFFFF, v61;
	v31 =	vadd.f32 v33, v31  }
0x1ad: {  	v35 =	vmax.f32 v35, $0.0e+00;
	v37 =	vadd.f32 v50, v49;
	v52 =	vsub.f32 $2.000000000e+00, v41  }
0x1ae: {  	v50 =	vand.u32 $0x7FFFFFFF, v44;
	v44 =	vmul.f32 v44, v44;
	v30 =	vadd.f32 v30, v30  }
0x1af: {  	vm13 =	vlt.f32 v41, $1.000000000e+00;
	v34 =	vadd.f32 v35, v34;
	v28 =	vadd.f32 v56, v28  }
0x1b0: {  	v56 =	vsub.f32 $2.000000000e+00, v50;
	vm14 =	vlt.f32 v50, $1.000000000e+00;
	v31 =	vadd.f32 v31, v31  }
0x1b1: {  	v55 =	vadd.f32 v37, v39;
	v37 =	vsel vm3, v59, v40;
	v40 =	vmul.f32 v61, v61  }
0x1b2: {  	v36 =	vld.idx.msk [tilespmem:v63+s4+$0x0], $0xffff;
	v49 =	vmul.f32 v52, v52;
	v57 =	vmul.f32 v50, v44;
	v59 =	vsub.f32 v42, v15  }
0x1b3: {  	v42 =	vsub.f32 v42, v16;
	v34 =	vadd.f32 v34, v34;
	v63 =	vmul.f32 v37, v37  }
0x1b4: {  	v58 =	vmul.f32 v56, v56;
	v53 =	vmul.f32 v41, v40;
	v40 =	vsub.f32 $6.666666860e-01, v40  }
0x1b5: {  	v28 =	vadd.f32 v28, v55;
	v55 =	vmul.f32 v49, v52;
	v62 =	vmul.f32 $5.000000000e-01, v59  }
0x1b6: {  	v42 =	vmul.f32 $5.000000000e-01, v42;
	v49 =	vmax.f32 v38, v45;
	v61 =	vmul.f32 v58, v56  }
0x1b7: {  	v60 =	vand.u32 $0x80000000, v36;
	vm11 =	vlt.f32 v36, $0.0e+00;
	vm12 =	vgt.f32 v36, $0.0e+00  }
0x1b8: {  	v43 =	vmul.f32 $1.666666720e-01, v55;
	v55 =	vmul.f32 v62, v62;
	v56 =	vand.u32 $0x7FFFFFFF, v62  }
0x1b9: {  	v51 =	vand.u32 $0x7FFFFFFF, v42;
	v39 =	vor.u32 v60, v2;
	vm3 =	vmor vm12, vm11  }
0x1ba: {  	v42 =	vmul.f32 v42, v42;
	v60 =	vsub.f32 $6.666666860e-01, v44;
	v39 =	vsel vm3, v39, v36  }
0x1bb: {  	vm15 =	vlt.f32 v56, $1.000000000e+00;
	vm6 =	vlt.f32 v51, $1.000000000e+00;
	v54 =	vmul.f32 v39, v39  }
0x1bc: {  	v36 =	vmul.f32 $5.000000000e-01, v53;
	v43 =	vmax.f32 v43, $0.0e+00;
	v47 =	vmul.f32 v56, v55  }
0x1bd: {  	v41 =	vsub.f32 $6.666666860e-01, v55;
	vm3 =	vgt.f32 v45, v38;
	v46 =	vadd.f32 v54, v63  }
0x1be: {  	s22 =	sadd.s32 $0x7, s19;
	v36 =	vadd.f32 v36, v40;
	v40 =	vmul.f32 $5.000000000e-01, v57;
	v57 =	vsub.f32 $2.000000000e+00, v56  }
0x1bf: {  	v47 =	vmul.f32 $5.000000000e-01, v47;
	v46 =	vadd.f32 v46, v28;
	v28 =	vmov s22  }
0x1c0: {  	v54 =	vmul.f32 $1.666666720e-01, v61;
	v43 =	vsel vm13, v36, v43;
	v48 =	vshll.u32 v28, $0x7  }
0x1c1: {  	v63 =	vadd.f32 v40, v60;
	v60 =	vsub.f32 $2.000000000e+00, v51;
	v58 =	vor.u32 v0, v48  }
0x1c2: {  	(xrf0) =	vmin.scan.msk.u32 $0xffff, v29;
	v59 =	vmul.f32 v57, v57;
	v41 =	vadd.f32 v47, v41;
	v61 =	vor.u32 v1, v48  }
0x1c3: {  	(xrf0) =	vmax.scan.msk.f32 $0xffff, v49;
	v40 =	vmax.f32 v54, $0.0e+00;
	v62 =	vmul.f32 v60, v60;
	v53 =	vor.u32 v10, v48  }
0x1c4: {  	v52 =	vsel vm14, v63, v40;
	v63 =	vmul.f32 v51, v42;
	v54 =	vor.u32 v3, v48  }
0x1c5: {  	v36 =	vmul.f32 v59, v57;
	v57 =	vsel vm1, v9, v8;
	(xrf2) =	vadd.scan.msk.f32 $0xffff, v46;
	v40 =	vmul.f32 v62, v60  }
0x1c6: {  	v42 =	vsub.f32 $6.666666860e-01, v42;
	v44 =	vmul.f32 $5.000000000e-01, v63;
	v62 =	vor.u32 v5, v48;
	v50 =	vld.idx.msk [tilespmem:v58+s4+$0x0], $0xffff  }
0x1c7: {  	v56 =	vmul.f32 $1.666666720e-01, v36;
	v36 =	vsel vm8, v11, v57;
	v40 =	vmul.f32 $1.666666720e-01, v40;
	v46 =	vld.idx.msk [tilespmem:v61+s4+$0x0], $0xffff  }
0x1c8: {  	v29, _, _ =	vpop (xrf0);
	v43 =	vmul.f32 $1.000000000e+01, v43;
	v36 =	vsel vm3, v12, v36;
	v42 =	vadd.f32 v44, v42;
	v44 =	vld.idx.msk [tilespmem:v53+s4+$0x0], $0xffff  }
0x1c9: {  	v63, _, _ =	vpop (xrf0);
	v58 =	vmax.f32 v56, $0.0e+00;
	v60 =	vld.idx.msk [tilespmem:v54+s4+$0x0], $0xffff;
	v40 =	vmax.f32 v40, $0.0e+00;
	v61 =	vor.u32 v4, v48  }
0x1ca: {  	v56 =	vbroadcast v63, $0xF;
	v41 =	vsel vm15, v41, v58;
	v42 =	vsel vm6, v42, v40  }
0x1cb: {  	v33 =	vld.idx.msk [tilespmem:v62+s4+$0x0], $0xffff;
	v62 =	vmax.f32 v39, $0.0e+00;
	v41 =	vmul.f32 $1.000000000e+01, v41;
	v59 =	vand.u32 $0x80000000, v50  }
0x1cc: {  	vm7 =	vlt.f32 v50, $0.0e+00;
	vm8 =	vgt.f32 v50, $0.0e+00;
	vm9 =	vlt.f32 v46, $0.0e+00  }
0x1cd: {  	vm10 =	vgt.f32 v46, $0.0e+00;
	vm11 =	vlt.f32 v44, $0.0e+00;
	vm12 =	vgt.f32 v44, $0.0e+00  }
0x1ce: {  	vm13 =	vlt.f32 v60, $0.0e+00;
	vm14 =	vgt.f32 v60, $0.0e+00;
	v57 =	vand.u32 $0x80000000, v46  }
0x1cf: {  	v55, _, _ =	vpop (xrf2);
	v58 =	vand.u32 $0x80000000, v44;
	v47 =	vor.u32 v59, v2;
	vm1 =	vmor vm8, vm7  }
0x1d0: {  	vm0 =	vmor vm10, vm9;
	vm15 =	vmor vm14, vm13;
	v38 =	vadd.f32 $2.000000000e+00, v55  }
0x1d1: {  	v59 =	vand.u32 $0x80000000, v60;
	vm7 =	vlt.f32 v33, $0.0e+00;
	vm8 =	vgt.f32 v33, $0.0e+00  }
0x1d2: {  	vm9 =	veq.f32 v49, v56;
	v55 =	vand.u32 $0x80000000, v33;
	v40 =	vsel vm1, v47, v50  }
0x1d3: {  	vm1 =	vmor vm12, vm11;
	v50 =	vor.u32 v58, v2;
	v53 =	vor.u32 v59, v2  }
0x1d4: {  	v47 =	vld.idx.msk [tilespmem:v61+s4+$0x0], $0xffff;
	vm2 =	vmor vm8, vm7;
	v61 =	vmax.f32 v37, $0.0e+00;
	v36 =	vnsel vm9, $0x80000040, v36  }
0x1d5: {  	v32 =	vbroadcast v38, $0xF;
	v38 =	vor.u32 v57, v2;
	v44 =	vsel vm1, v50, v44  }
0x1d6: {  	v57 =	vor.u32 v55, v2;
	v35 =	vadd.f32 v62, v61;
	v61 =	vmul.f32 v40, v40  }
0x1d7: {  	v40 =	vmax.f32 v40, $0.0e+00;
	v38 =	vsel vm0, v38, v46;
	v46 =	vsel vm15, v53, v60  }
0x1d8: {  	v60 =	vor.u32 v6, v48;
	v48 =	vor.u32 v7, v48;
	v53 =	vmul.f32 $1.000000000e+01, v52  }
0x1d9: {  	v37 =	vld.idx.msk [tilespmem:v28+s11+$0x0], $0xffff;
	v33 =	vsel vm2, v57, v33;
	v30 =	vsub.f32 v30, v32;
	v31 =	vsub.f32 v31, v32  }
0x1da: {  	v34 =	vsub.f32 v34, v32;
	v62 =	vmul.f32 v38, v38;
	v52 =	vmul.f32 v46, v46  }
0x1db: {  	v35 =	vadd.f32 v35, v35;
	v38 =	vmax.f32 v38, $0.0e+00;
	vm5 =	vlt.f32 v47, $0.0e+00  }
0x1dc: {  	vm6 =	vgt.f32 v47, $0.0e+00;
	v30 =	vadd.f32 v30, v43;
	v31 =	vadd.f32 v31, v53  }
0x1dd: {  	v54 =	vand.u32 $0x80000000, v47;
	v59 =	vadd.f32 v34, v41;
	v41 =	vadd.f32 v62, v61  }
0x1de: {  	v57 =	vsub.f32 v37, v14;
	v32 =	vsub.f32 v35, v32;
	v35 =	vmul.f32 $1.000000000e+01, v42  }
0x1df: {  	v50 =	vsub.f32 v37, v15;
	vm0 =	vmor vm6, vm5;
	v56 =	vor.u32 v54, v2  }
0x1e0: {  	v54 =	vsub.f32 v37, v13;
	v37 =	vsub.f32 v37, v16;
	v63 =	vld.idx.msk [tilespmem:v60+s4+$0x0], $0xffff;
	v43 =	vsel vm0, v56, v47  }
0x1e1: {  	v48 =	vld.idx.msk [tilespmem:v48+s4+$0x0], $0xffff;
	vm14 =	vgt.f32 v31, v30;
	v30 =	vmax.f32 v30, v31;
	v56 =	vmul.f32 v33, v33  }
0x1e2: {  	v32 =	vadd.f32 v32, v35;
	v33 =	vmax.f32 v33, $0.0e+00;
	v55 =	vmul.f32 v43, v43  }
0x1e3: {  	vm15 =	vgt.f32 v59, v30;
	v30 =	vmax.f32 v30, v59;
	v37 =	vmul.f32 $5.000000000e-01, v37  }
0x1e4: {  	vm8 =	vgt.f32 v32, v30;
	v30 =	vmax.f32 v30, v32;
	v59 =	vadd.f32 v56, v55  }
0x1e5: {  	v58 =	vand.u32 $0x80000000, v63;
	vm10 =	vlt.f32 v63, $0.0e+00;
	vm11 =	vgt.f32 v63, $0.0e+00  }
0x1e6: {  	vm12 =	vlt.f32 v48, $0.0e+00;
	vm13 =	vgt.f32 v48, $0.0e+00;
	v60 =	vand.u32 $0x80000000, v48  }
0x1e7: {  	v45 =	vor.u32 v58, v2;
	vm0 =	vmor vm11, vm10;
	vm2 =	vmor vm13, vm12  }
0x1e8: {  	v34 =	vor.u32 v60, v2;
	v58 =	vmul.f32 $5.000000000e-01, v54;
	v60 =	vmul.f32 $5.000000000e-01, v57  }
0x1e9: {  	v54 =	vmax.f32 v43, $0.0e+00;
	v39 =	vsel vm0, v45, v63;
	v63 =	vmul.f32 v44, v44  }
0x1ea: {  	v34 =	vsel vm2, v34, v48;
	v33 =	vadd.f32 v33, v54;
	v61 =	vmul.f32 v39, v39  }
0x1eb: {  	v48 =	vand.u32 $0x7FFFFFFF, v58;
	v42 =	vmul.f32 v58, v58;
	v62 =	vmul.f32 v34, v34  }
0x1ec: {  	v51 =	vand.u32 $0x7FFFFFFF, v60;
	v45 =	vmul.f32 v60, v60;
	v53 =	vadd.f32 v52, v63  }
0x1ed: {  	v39 =	vmax.f32 v39, $0.0e+00;
	v34 =	vmax.f32 v34, $0.0e+00;
	v63 =	vsub.f32 $2.000000000e+00, v48  }
0x1ee: {  	v57 =	vsub.f32 $2.000000000e+00, v51;
	vm6 =	vlt.f32 v48, $1.000000000e+00;
	v31 =	vadd.f32 v53, v41  }
0x1ef: {  	vm7 =	vlt.f32 v51, $1.000000000e+00;
	v52 =	vmax.f32 v44, $0.0e+00;
	v58 =	vmul.f32 v63, v63  }
0x1f0: {  	v56 =	vmul.f32 v48, v42;
	v47 =	vadd.f32 v62, v61;
	v31 =	vadd.f32 v59, v31  }
0x1f1: {  	v34 =	vadd.f32 v34, v39;
	v33 =	vadd.f32 v33, v33;
	v60 =	vmul.f32 v58, v63  }
0x1f2: {  	v42 =	vsub.f32 $6.666666860e-01, v42;
	v41 =	vmul.f32 $5.000000000e-01, v56;
	v31 =	vadd.f32 v47, v31  }
0x1f3: {  	v61 =	vmul.f32 v51, v45;
	v45 =	vsub.f32 $6.666666860e-01, v45;
	v35 =	vmul.f32 $1.666666720e-01, v60  }
0x1f4: {  	v51 =	vadd.f32 v38, v40;
	v53 =	vmax.f32 v46, $0.0e+00;
	v41 =	vadd.f32 v41, v42;
	(xrf2) =	vadd.scan.msk.f32 $0xffff, v31  }
0x1f5: {  	v34 =	vadd.f32 v34, v34;
	v38 =	vadd.f32 v53, v52;
	v35 =	vmax.f32 v35, $0.0e+00  }
0x1f6: {  	v59 =	vmul.f32 v57, v57;
	v35 =	vsel vm6, v41, v35;
	v41 =	vmul.f32 $5.000000000e-01, v50  }
0x1f7: {  	v32 =	vadd.f32 v51, v51;
	v63 =	vmul.f32 $5.000000000e-01, v61;
	v38 =	vadd.f32 v38, v38  }
0x1f8: {  	v62 =	vmul.f32 v59, v57;
	v59 =	vand.u32 $0x7FFFFFFF, v37;
	v55 =	vand.u32 $0x7FFFFFFF, v41  }
0x1f9: {  	v37 =	vmul.f32 v37, v37;
	v61 =	vsub.f32 $2.000000000e+00, v59;
	v56 =	vsub.f32 $2.000000000e+00, v55  }
0x1fa: {  	v48 =	vadd.f32 v63, v45;
	v42 =	vmul.f32 $1.666666720e-01, v62;
	v41 =	vmul.f32 v41, v41  }
0x1fb: {  	vm10 =	vlt.f32 v59, $1.000000000e+00;
	v63 =	vmul.f32 v61, v61;
	v58 =	vmul.f32 v56, v56  }
0x1fc: {  	v49 =	vmax.f32 v42, $0.0e+00;
	v35 =	vmul.f32 $1.000000000e+01, v35;
	v57 =	vmul.f32 v55, v41  }
0x1fd: {  	v31 =	vsel vm7, v48, v49;
	v47 =	vmul.f32 v63, v61;
	v39 =	vmul.f32 v58, v56  }
0x1fe: {  	(xrf0) =	vmin.scan.msk.u32 $0xffff, v36;
	v48 =	vmul.f32 v59, v37;
	v41 =	vsub.f32 $6.666666860e-01, v41;
	v43 =	vmul.f32 $5.000000000e-01, v57;
	v60, _, _ =	vpop (xrf2)  }
0x1ff: {  	(xrf0) =	vmax.scan.msk.f32 $0xffff, v30;
	v37 =	vsub.f32 $6.666666860e-01, v37;
	v39 =	vmul.f32 $1.666666720e-01, v39;
	v62 =	vadd.f32 $2.000000000e+00, v60  }
0x200: {  	vm9 =	vlt.f32 v55, $1.000000000e+00;
	v42 =	vmul.f32 $5.000000000e-01, v48;
	v41 =	vadd.f32 v43, v41  }
0x201: {  	v50 =	vmul.f32 $1.666666720e-01, v47;
	v39 =	vmax.f32 v39, $0.0e+00;
	v45 =	vbroadcast v62, $0xF  }
0x202: {  	v31 =	vmul.f32 $1.000000000e+01, v31;
	v37 =	vadd.f32 v42, v37;
	v49 =	vsel vm9, v41, v39  }
0x203: {  	v39 =	vmax.f32 v50, $0.0e+00;
	v32 =	vsub.f32 v32, v45;
	v38 =	vsub.f32 v38, v45  }
0x204: {  	v51, _, _ =	vpop (xrf0);
	v37 =	vsel vm10, v37, v39;
	v33 =	vsub.f32 v33, v45;
	v34 =	vsub.f32 v34, v45  }
0x205: {  	v52, _, _ =	vpop (xrf0);
	v37 =	vmul.f32 $1.000000000e+01, v37;
	v32 =	vadd.f32 v32, v35;
	v35 =	vmul.f32 $1.000000000e+01, v49  }
0x206: {  	v53 =	vsel vm14, v9, v8;
	v31 =	vadd.f32 v38, v31;
	v38 =	vbroadcast v52, $0xF  }
0x207: {  	v54 =	vsel vm15, v11, v53;
	v34 =	vadd.f32 v34, v37;
	v33 =	vadd.f32 v33, v35  }
0x208: {  	vm11 =	veq.f32 v30, v38;
	v30 =	vsel vm8, v12, v54;
	v55 =	vmax.f32 v32, v31  }
0x209: {  	v30 =	vnsel vm11, $0x80000040, v30;
	v56 =	vmax.f32 v55, v33  }
0x20a: {  	(xrf0) =	vmin.scan.msk.u32 $0xffff, v30;
	v57 =	vmax.f32 v56, v34  }
0x20b: {  	(xrf0) =	vmax.scan.msk.f32 $0xffff, v57;
	_ =	sdelay $0x4  }
0x20c: {  	v58, _, _ =	vpop (xrf0)  }
0x20d: {  	vm12 =	vgt.f32 v31, v32;
	v59, _, _ =	vpop (xrf0)  }
0x20e: {  	v32 =	vsel vm12, v9, v8;
	vm13 =	vgt.f32 v33, v55;
	v31 =	vbroadcast v59, $0xF  }
0x20f: {  	vm14 =	vgt.f32 v34, v56;
	v32 =	vsel vm13, v11, v32  }
0x210: {  	(v2sf) =	vpush v20, $0xF;
	v60 =	vsel vm14, v12, v32;
	vm15 =	veq.f32 v57, v31  }
0x211: {  	(v2sf) =	vpush v22, $0xF;
	v30 =	vnsel vm15, $0x80000040, v60  }
0x212: {  	(v2sf) =	vpush v24, $0xF;
	(xrf0) =	vmin.scan.msk.u32 $0xffff, v30  }
0x213: {  	(v2sf) =	vpush v26, $0xF;
	_ =	sdelay $0x2  }
0x214: {  	(v2sf) =	vpush v29, $0xF  }
0x215: {  	(v2sf) =	vpush v51, $0xF  }
0x216: {  	(v2sf) =	vpush v58, $0xF;
	v61, _, _ =	vpop (xrf0)  }
0x217: {  	(v2sf) =	vpush v61, $0xF;
	_ =	sdelay $0x5  }
0x218: {  	s23 =	spop (v2sf)  }
0x219: {  	s21 =	spop (v2sf)  }
0x21a: {  	s24 =	spop (v2sf)  }
0x21b: {  	s21 =	sxor.u32 $0x80000000, s21;
	s25 =	spop (v2sf)  }
0x21c: {  	v63 =	vmov s21;
	s21 =	sxor.u32 $0x80000000, s25  }
0x21d: {  	s20 =	sxor.u32 $0x80000000, s23;
	[tilespmem:v18+s16+$0x0] =	vst.idx.msk $0x1, v63;
	v18 =	vmov s21  }
0x21e: {  	s26 =	spop (v2sf);
	[tilespmem:v21+s16+$0x0] =	vst.idx.msk $0x1, v18;
	v62 =	vmov s20;
	s20 =	sxor.u32 $0x80000000, s24  }
0x21f: {  	p0 =	slt.u32 s19, $0xF8;
	s28 =	spop (v2sf);
	[tilespmem:v17+s16+$0x0] =	vst.idx.msk $0x1, v62;
	v17 =	vmov s20;
	s20 =	sxor.u32 $0x80000000, s26  }
.Ltmp0:
0x220: {  	s21 =	sxor.u32 $0x80000000, s28;
	[tilespmem:v19+s16+$0x0] =	vst.idx.msk $0x1, v17;
	v17 =	vmov s20;
	s29 =	spop (v2sf);
	(pc) =	sbr.rel @p0 .LBB2_2-.Ltmp0, $4  }
0x221: {  	[tilespmem:v23+s16+$0x0] =	vst.idx.msk $0x1, v17;
	v17 =	vmov s21;
	s20 =	sxor.u32 $0x80000000, s29;
	s30 =	spop (v2sf)  }
0x222: {  	[tilespmem:v25+s16+$0x0] =	vst.idx.msk $0x1, v17;
	v18 =	vmov s20;
	s31 =	sxor.u32 $0x80000000, s30  }
0x223: {  	[tilespmem:v27+s16+$0x0] =	vst.idx.msk $0x1, v18;
	v17 =	vmov s31  }
0x224: {  	s19 =	sadd.s32 $0x8, s19;
	[tilespmem:v28+s16+$0x0] =	vst.idx.msk $0x1, v17  }
0x225: {  	v13 =	vld [tilespmem:$0x8100]  }
0x226: {  	v14 =	vld [tilespmem:$0x8300];
	_ =	sdelay $0x3  }
0x227: {  	v13 =	vshll.u32 v13, $0x6  }
0x228: {  	v13 =	vadd.s32 v14, v13;
	_ =	sdelay $0x2  }
0x229: {  	v14 =	vld [tilespmem:$0x8110]  }
0x22a: {  	v15 =	vld [tilespmem:$0x8310]  }
0x22b: {  	v13 =	vld.idx.msk [tilespmem:v13+s14+$0x0], $0xffff;
	_ =	sdelay $0x2  }
0x22c: {  	v14 =	vshll.u32 v14, $0x6  }
0x22d: {  	v14 =	vadd.s32 v15, v14  }
0x22e: {  	v13 =	vtrunc.f32 v13  }
0x22f: {  	v13 =	vcvt.f32.s32 v13  }
0x230: {  	v15 =	vld [tilespmem:$0x8120]  }
0x231: {  	[tilespmem:$0x8400] =	vst v13;
	v13 =	vld [tilespmem:$0x8320]  }
0x232: {  	v14 =	vld.idx.msk [tilespmem:v14+s14+$0x0], $0xffff;
	_ =	sdelay $0x2  }
0x233: {  	v15 =	vshll.u32 v15, $0x6  }
0x234: {  	v13 =	vadd.s32 v13, v15  }
0x235: {  	v14 =	vtrunc.f32 v14  }
0x236: {  	v14 =	vcvt.f32.s32 v14  }
0x237: {  	v15 =	vld [tilespmem:$0x8130]  }
0x238: {  	[tilespmem:$0x8410] =	vst v14;
	v14 =	vld [tilespmem:$0x8330]  }
0x239: {  	v13 =	vld.idx.msk [tilespmem:v13+s14+$0x0], $0xffff;
	_ =	sdelay $0x2  }
0x23a: {  	v15 =	vshll.u32 v15, $0x6  }
0x23b: {  	v14 =	vadd.s32 v14, v15  }
0x23c: {  	v13 =	vtrunc.f32 v13  }
0x23d: {  	v13 =	vcvt.f32.s32 v13  }
0x23e: {  	v15 =	vld [tilespmem:$0x8140]  }
0x23f: {  	[tilespmem:$0x8420] =	vst v13;
	v13 =	vld [tilespmem:$0x8340]  }
0x240: {  	v14 =	vld.idx.msk [tilespmem:v14+s14+$0x0], $0xffff;
	_ =	sdelay $0x2  }
0x241: {  	v15 =	vshll.u32 v15, $0x6  }
0x242: {  	v13 =	vadd.s32 v13, v15  }
0x243: {  	v14 =	vtrunc.f32 v14  }
0x244: {  	v14 =	vcvt.f32.s32 v14  }
0x245: {  	v15 =	vld [tilespmem:$0x8150]  }
0x246: {  	[tilespmem:$0x8430] =	vst v14;
	v14 =	vld [tilespmem:$0x8350]  }
0x247: {  	v13 =	vld.idx.msk [tilespmem:v13+s14+$0x0], $0xffff;
	_ =	sdelay $0x2  }
0x248: {  	v15 =	vshll.u32 v15, $0x6  }
0x249: {  	v14 =	vadd.s32 v14, v15  }
0x24a: {  	v13 =	vtrunc.f32 v13  }
0x24b: {  	v13 =	vcvt.f32.s32 v13  }
0x24c: {  	v15 =	vld [tilespmem:$0x8160]  }
0x24d: {  	[tilespmem:$0x8440] =	vst v13;
	v13 =	vld [tilespmem:$0x8360]  }
0x24e: {  	v14 =	vld.idx.msk [tilespmem:v14+s14+$0x0], $0xffff;
	_ =	sdelay $0x2  }
0x24f: {  	v15 =	vshll.u32 v15, $0x6  }
0x250: {  	v13 =	vadd.s32 v13, v15  }
0x251: {  	v14 =	vtrunc.f32 v14  }
0x252: {  	v14 =	vcvt.f32.s32 v14  }
0x253: {  	v15 =	vld [tilespmem:$0x8170]  }
0x254: {  	[tilespmem:$0x8450] =	vst v14;
	v14 =	vld [tilespmem:$0x8370]  }
0x255: {  	v13 =	vld.idx.msk [tilespmem:v13+s14+$0x0], $0xffff;
	_ =	sdelay $0x2  }
0x256: {  	v15 =	vshll.u32 v15, $0x6  }
0x257: {  	v14 =	vadd.s32 v14, v15  }
0x258: {  	v13 =	vtrunc.f32 v13  }
0x259: {  	v13 =	vcvt.f32.s32 v13  }
0x25a: {  	v15 =	vld [tilespmem:$0x8180]  }
0x25b: {  	[tilespmem:$0x8460] =	vst v13;
	v13 =	vld [tilespmem:$0x8380]  }
0x25c: {  	v14 =	vld.idx.msk [tilespmem:v14+s14+$0x0], $0xffff;
	_ =	sdelay $0x2  }
0x25d: {  	v15 =	vshll.u32 v15, $0x6  }
0x25e: {  	v13 =	vadd.s32 v13, v15  }
0x25f: {  	v14 =	vtrunc.f32 v14  }
0x260: {  	v14 =	vcvt.f32.s32 v14  }
0x261: {  	v15 =	vld [tilespmem:$0x8190]  }
0x262: {  	[tilespmem:$0x8470] =	vst v14;
	v14 =	vld [tilespmem:$0x8390]  }
0x263: {  	v13 =	vld.idx.msk [tilespmem:v13+s14+$0x0], $0xffff;
	_ =	sdelay $0x2  }
0x264: {  	v15 =	vshll.u32 v15, $0x6  }
0x265: {  	v14 =	vadd.s32 v14, v15  }
0x266: {  	v13 =	vtrunc.f32 v13  }
0x267: {  	v13 =	vcvt.f32.s32 v13  }
0x268: {  	v15 =	vld [tilespmem:$0x81A0]  }
0x269: {  	[tilespmem:$0x8480] =	vst v13;
	v13 =	vld [tilespmem:$0x83A0]  }
0x26a: {  	v14 =	vld.idx.msk [tilespmem:v14+s14+$0x0], $0xffff;
	_ =	sdelay $0x2  }
0x26b: {  	v15 =	vshll.u32 v15, $0x6  }
0x26c: {  	v13 =	vadd.s32 v13, v15  }
0x26d: {  	v14 =	vtrunc.f32 v14  }
0x26e: {  	v14 =	vcvt.f32.s32 v14  }
0x26f: {  	v15 =	vld [tilespmem:$0x81B0]  }
0x270: {  	[tilespmem:$0x8490] =	vst v14;
	v14 =	vld [tilespmem:$0x83B0]  }
0x271: {  	v13 =	vld.idx.msk [tilespmem:v13+s14+$0x0], $0xffff;
	_ =	sdelay $0x2  }
0x272: {  	v15 =	vshll.u32 v15, $0x6  }
0x273: {  	v14 =	vadd.s32 v14, v15  }
0x274: {  	v13 =	vtrunc.f32 v13  }
0x275: {  	v13 =	vcvt.f32.s32 v13  }
0x276: {  	v15 =	vld [tilespmem:$0x81C0]  }
0x277: {  	[tilespmem:$0x84A0] =	vst v13;
	v13 =	vld [tilespmem:$0x83C0]  }
0x278: {  	v14 =	vld.idx.msk [tilespmem:v14+s14+$0x0], $0xffff;
	_ =	sdelay $0x2  }
0x279: {  	v15 =	vshll.u32 v15, $0x6  }
0x27a: {  	v13 =	vadd.s32 v13, v15  }
0x27b: {  	v14 =	vtrunc.f32 v14  }
0x27c: {  	v14 =	vcvt.f32.s32 v14  }
0x27d: {  	v15 =	vld [tilespmem:$0x81D0]  }
0x27e: {  	[tilespmem:$0x84B0] =	vst v14;
	v14 =	vld [tilespmem:$0x83D0]  }
0x27f: {  	v13 =	vld.idx.msk [tilespmem:v13+s14+$0x0], $0xffff;
	_ =	sdelay $0x2  }
0x280: {  	v15 =	vshll.u32 v15, $0x6  }
0x281: {  	v14 =	vadd.s32 v14, v15  }
0x282: {  	v13 =	vtrunc.f32 v13  }
0x283: {  	v13 =	vcvt.f32.s32 v13  }
0x284: {  	v15 =	vld [tilespmem:$0x81E0]  }
0x285: {  	[tilespmem:$0x84C0] =	vst v13;
	v13 =	vld [tilespmem:$0x83E0]  }
0x286: {  	v14 =	vld.idx.msk [tilespmem:v14+s14+$0x0], $0xffff;
	_ =	sdelay $0x2  }
0x287: {  	v15 =	vshll.u32 v15, $0x6  }
0x288: {  	v13 =	vadd.s32 v13, v15  }
0x289: {  	v14 =	vtrunc.f32 v14  }
0x28a: {  	v14 =	vcvt.f32.s32 v14  }
0x28b: {  	v15 =	vld [tilespmem:$0x81F0]  }
0x28c: {  	[tilespmem:$0x84D0] =	vst v14;
	v14 =	vld [tilespmem:$0x83F0]  }
0x28d: {  	v13 =	vld.idx.msk [tilespmem:v13+s14+$0x0], $0xffff;
	_ =	sdelay $0x2  }
0x28e: {  	v15 =	vshll.u32 v15, $0x6  }
0x28f: {  	v14 =	vadd.s32 v14, v15  }
0x290: {  	v13 =	vtrunc.f32 v13  }
0x291: {  	v13 =	vcvt.f32.s32 v13;
	_ =	sdelay $0x1  }
0x292: {  	[tilespmem:$0x84E0] =	vst v13  }
0x293: {  	v13 =	vld.idx.msk [tilespmem:v14+s14+$0x0], $0xffff;
	_ =	sdelay $0x4  }
0x294: {  	v13 =	vtrunc.f32 v13  }
0x295: {  	v13 =	vcvt.f32.s32 v13;
	_ =	sdelay $0x1  }
0x296: {  	[tilespmem:$0x84F0] =	vst v13  }
0x297: {  	[hbm4b:s8+s4] =	stream.linear.scatter [tilespmem:s16], [sflag:$0x1], $0x100, $0x38;
	[tilespmem:$0x8500] =	vst v63  }
0x298: {  	s18 =	sadd.s32 $0x1, s18  }
0x299: {  	[hbm4b:s9+s4] =	stream.linear.scatter [tilespmem:s17], [sflag:$0x1], $0x100, $0x38;
	[tilespmem:$0x8500] =	vst v63  }
0x29a: {  	p0 =	sne.s32 s18, s10;
	_ =	swait.ge [sflag:s15], $0x100  }
.Ltmp1:
0x29b: {  	[sflag:s15] =	ssyncset.done $0x0;
	(pc) =	sbr.rel @p0 .LBB2_1-.Ltmp1, $4  }
0x29c: {  	[sflag:s15] =	ssyncadd.s32 $0xFFFFFF00  }
0x29d: {  	_ =	swait.ge [sflag:s15], $0x100  }
0x29e: {  	[sflag:s15] =	ssyncset.done $0x0  }
0x29f: {  	[sflag:s15] =	ssyncadd.s32 $0xFFFFFF00  }
0x2a0: {  	_ =	sfence.sel $0x180000  }
0x2a1: {  	[bflag:$0x0] =	sbarrier.arrive $0xFFFF  }
0x2a2: {  	p0 =	sne.s32 s3, $0x0;
	_ =	strace $0x90000047  }
0x2a3: {  	s0 =	sadd.s32 @!p0 $0x100000, s0;
	[bflag:$0x2] =	sbarrier.arrive $0xFFFF  }
0x2a4: {  	[sflag:s0] =	ssyncadd.tile.s32 @!p0 $0x1;
	_ =	shalt  }
.Lfunc_end2:
_tile_overlayer_lowered:
.L_overlay_start_2:
0x2a5: {  	(tag) =	ssettag $0x2  }
0x2a6: {  	s0 =	rddreg [dreg:$0x0];
	s2 =	stileid.u32  }
0x2a7: {  	s1 =	rddreg [dreg:$0x1];
	p0 =	sne.s32 s2, $0x0  }
0x2a8: {  	s3 =	rddreg [dreg:$0x2];
	[bflag:$0x3] =	sbarrier.arrive $0xFFFF;
	s2 =	simm.s32 @!p0 $0x1C02  }
0x2a9: {  	[timem:s3], [sflag:s2] =	dma.local @!p0 [hbm:s0], s1  }
0x2aa: {  	s0 =	simm.s32 @!p0 $0x2  }
0x2ab: {  	_ =	swait.ge @!p0 [sflag:s0], s1  }
0x2ac: {  	s1 =	ssub.s32 @!p0 $0x0, s1;
	[sflag:s0] =	ssyncset.done @!p0 $0x0  }
0x2ad: {  	[sflag:s0] =	ssyncadd.s32 @!p0 s1  }
0x2ae: {  	[bflag:$0x3] =	sbarrier.arrive $0xFFFF  }
0x2af: {  	_ =	shalt  }

</sc_bundles>
